<compile_context>
chip_gen: v7x
topology: tpu7x:2x2x1
jax: 0.10.2.dev20260603
libtpu: 0.0.44.dev20260713+nightly
codegen_flags: <defaults>
</compile_context>

<pallas_src>
import functools

import jax
import jax.numpy as jnp
from jax import lax
from jax.experimental import pallas as pl
from jax.experimental.pallas import tpu as pltpu
from jax.experimental.pallas import tpu_sc as plsc

VOCAB = 1_000_000
EMBED_DIM = 64
BATCH = 16384
LANES = 128

_info = plsc.get_sparse_core_info()
_NC, _NS = _info.num_cores, _info.num_subcores
_NW = _NC * _NS
_B_PER_W = BATCH // _NW
_K = 8
_NBURST = _B_PER_W // _K

_mesh = plsc.VectorSubcoreMesh(core_axis_name="c", subcore_axis_name="s")


@functools.partial(
    pl.kernel,
    mesh=_mesh,
    out_type=jax.ShapeDtypeStruct((EMBED_DIM, BATCH), jnp.float32),
    scratch_types=[
        pltpu.VMEM((_B_PER_W + 8,), jnp.int32),
        pltpu.VMEM((_K, EMBED_DIM, LANES), jnp.float32),
        pltpu.VMEM((EMBED_DIM, _B_PER_W), jnp.float32),
        pltpu.SemaphoreType.DMA,
    ],
    compiler_params=pltpu.CompilerParams(needs_layout_passes=False),
)
def _gather_kernel(idx_hbm, table_t_hbm, out_t_hbm, idx_v, cols_v, out_v, sem):
    wid = lax.axis_index("s") * _NC + lax.axis_index("c")
    base = wid * _B_PER_W
    pltpu.sync_copy(idx_hbm.at[pl.ds(base, _B_PER_W)], idx_v.at[pl.ds(0, _B_PER_W)])

    row16 = [lax.iota(jnp.int32, 16) + 16 * g for g in range(EMBED_DIM // 16)]
    half_slots = _K // 2

    def issue(bank, idx16, off):
        for b in range(half_slots):
            v = idx16[off + b]
            col0 = pl.multiple_of((v // LANES) * LANES, LANES)
            pltpu.async_copy(
                table_t_hbm.at[:, pl.ds(col0, LANES)],
                cols_v.at[bank * half_slots + b],
                sem,
            )

    def drain_extract(bank, idx16, off, ibase):
        pltpu.make_async_copy(
            table_t_hbm.at[:, pl.ds(0, half_slots * LANES)],
            cols_v.at[pl.ds(bank * half_slots, half_slots)],
            sem,
        ).wait()
        for b in range(half_slots):
            v = idx16[off + b]
            lane = jnp.broadcast_to(v % LANES, (16,))
            ivec = jnp.broadcast_to(ibase + b, (16,))
            for r16 in row16:
                vals = plsc.load_gather(cols_v.at[bank * half_slots + b], [r16, lane])
                plsc.store_scatter(out_v, [r16, ivec], vals)

    def group(g, idx_prev):
        idx16 = idx_v[pl.ds(g * 8, 16)]

        @pl.when(g > 0)
        def _():
            drain_extract(0, idx_prev, 0, (g - 1) * 8)

        issue(0, idx16, 0)

        @pl.when(g > 0)
        def _():
            drain_extract(1, idx_prev, half_slots, (g - 1) * 8 + half_slots)

        issue(1, idx16, half_slots)
        return idx16

    idx_last = lax.fori_loop(
        0, _B_PER_W // 8, group, jnp.zeros((16,), jnp.int32), unroll=False
    )
    drain_extract(0, idx_last, 0, _B_PER_W - 8)
    drain_extract(1, idx_last, half_slots, _B_PER_W - half_slots)

    pltpu.sync_copy(out_v, out_t_hbm.at[:, pl.ds(base, _B_PER_W)])


def kernel(go_terms, min_embedding):
    idx = go_terms.astype(jnp.int32)
    out_t = _gather_kernel(idx, min_embedding.T)
    return out_t.T

# --- scband reference (transcript-rebuilt; emitter-appended) ---
"""Pipeline reference for scband-box-el-59287728554453 (READ-ONLY COPY).

The authoritative reference and input builder live on the scoring server;
editing this copy changes nothing except your own understanding.
"""

import jax, jax.numpy as jnp
import numpy as np

VOCAB = 1000000
EMBED_DIM = 64
BATCH = 16384
MIN_LO, MIN_HI = 0.0001, 0.2

def setup_inputs(seed: int = 0) -> dict:
    key = jax.random.key(seed)
    k_idx, k_min = jax.random.split(key)
    go_terms = jax.random.randint(k_idx, (BATCH,), 0, VOCAB, dtype=jnp.int64 if jax.config.jax_enable_x64 else jnp.int32)
    # min_embedding initialized Uniform(min_init_value[0], min_init_value[1]) like init_concept_embedding
    min_embedding = jax.random.uniform(k_min, (VOCAB, EMBED_DIM), dtype=jnp.float32, minval=MIN_LO, maxval=MIN_HI)
    return {"go_terms": go_terms, "min_embedding": min_embedding}

def reference(go_terms, min_embedding):
    # BoxEL.forward: return self.min_embedding[go_terms]
    return jnp.take(min_embedding, go_terms, axis=0)

if __name__ == "__main__":
    import jax
    _d = setup_inputs()
    print(jax.jit(kernel)(*tuple(_d.values())))

</pallas_src>

<mosaic_0001>
#map = affine_map<(d0, d1) -> (0)>
#map1 = affine_map<(d0, d1) -> (0, 0)>
module attributes {stable_mosaic.version = 14 : i64} {
  func.func @_gather_kernel(%arg0: i32, %arg1: i32, %arg2: memref<16384xi32, #tpu.memory_space<hbm>>, %arg3: memref<64x1000000xf32, #tpu.memory_space<hbm>>, %arg4: memref<64x16384xf32, #tpu.memory_space<hbm>>, %arg5: memref<520xi32, #tpu.memory_space<vmem>>, %arg6: memref<8x64x128xf32, #tpu.memory_space<vmem>>, %arg7: memref<64x512xf32, #tpu.memory_space<vmem>>, %arg8: memref<!tpu.dma_semaphore, #tpu.memory_space<semaphore_mem>>) attributes {dimension_semantics = [#tpu.dimension_semantics<core_parallel>, #tpu.dimension_semantics<subcore_parallel>], iteration_bounds = array<i64: 2, 16>, scalar_prefetch = 0 : i64, scratch_operands = 4 : i64, tpu.core_type = #tpu.core_type<sc_vector_subcore>, window_params = [{transform_indices = #map}, {transform_indices = #map1}, {transform_indices = #map1}]} {
    %mul3A = arith.constant 2 : i32
    %mul3A_0 = arith.muli %arg1, %mul3A : i32
    %add3A = arith.addi %mul3A_0, %arg0 : i32
    %mul3A_1 = arith.constant 512 : i32
    %mul3A_2 = arith.muli %add3A, %mul3A_1 : i32
    "tpu.region"() ({
      %run_scoped3A = tpu.sem_alloc : memref<!tpu.dma_semaphore, #tpu.memory_space<semaphore_mem>>
      %dma_start3A = arith.constant 0 : i32
      %dma_start3A_401 = tpu.memref_slice %arg5[%dma_start3A] : memref<520xi32, #tpu.memory_space<vmem>> -> memref<512xi32, #tpu.memory_space<vmem>>
      %dma_start3A_402 = tpu.memref_slice %arg2[%mul3A_2] : memref<16384xi32, #tpu.memory_space<hbm>> -> memref<512xi32, #tpu.memory_space<hbm>>
      %dma_start3A_403 = arith.constant 0 : i32
      %dma_start3A_404 = tpu.memref_slice %arg5[%dma_start3A_403] : memref<520xi32, #tpu.memory_space<vmem>> -> memref<512xi32, #tpu.memory_space<vmem>>
      %dma_start3A_405 = tpu.memref_slice %arg2[%mul3A_2] : memref<16384xi32, #tpu.memory_space<hbm>> -> memref<512xi32, #tpu.memory_space<hbm>>
      tpu.enqueue_dma source(%dma_start3A_405 : memref<512xi32, #tpu.memory_space<hbm>>) target(%dma_start3A_404 : memref<512xi32, #tpu.memory_space<vmem>>) target_semaphore(%run_scoped3A : memref<!tpu.dma_semaphore, #tpu.memory_space<semaphore_mem>>)
      %dma_wait3A_406 = arith.constant 0 : i32
      %dma_wait3A_407 = tpu.memref_slice %arg5[%dma_wait3A_406] : memref<520xi32, #tpu.memory_space<vmem>> -> memref<512xi32, #tpu.memory_space<vmem>>
      %dma_wait3A_408 = tpu.memref_slice %arg2[%mul3A_2] : memref<16384xi32, #tpu.memory_space<hbm>> -> memref<512xi32, #tpu.memory_space<hbm>>
      %dma_wait3A_409 = arith.constant 0 : i32
      %dma_wait3A_410 = tpu.memref_slice %arg5[%dma_wait3A_409] : memref<520xi32, #tpu.memory_space<vmem>> -> memref<512xi32, #tpu.memory_space<vmem>>
      %dma_wait3A_411 = tpu.memref_slice %arg2[%mul3A_2] : memref<16384xi32, #tpu.memory_space<hbm>> -> memref<512xi32, #tpu.memory_space<hbm>>
      tpu.wait_dma2 semaphore(%run_scoped3A : memref<!tpu.dma_semaphore, #tpu.memory_space<semaphore_mem>>) src(%dma_wait3A_411 : memref<512xi32, #tpu.memory_space<hbm>>) dst(%dma_wait3A_410 : memref<512xi32, #tpu.memory_space<vmem>>)
      tpu.yield
    }) : () -> ()
    %iota3A = tpu.iota {dimensions = array<i32: 0>} : vector<16xi32>
    %add3A_3 = arith.constant 0 : i32
    %add3A_4 = vector.broadcast %add3A_3 : i32 to vector<16xi32>
    %add3A_5 = arith.addi %iota3A, %add3A_4 : vector<16xi32>
    %iota3A_6 = tpu.iota {dimensions = array<i32: 0>} : vector<16xi32>
    %add3A_7 = arith.constant 16 : i32
    %add3A_8 = vector.broadcast %add3A_7 : i32 to vector<16xi32>
    %add3A_9 = arith.addi %iota3A_6, %add3A_8 : vector<16xi32>
    %iota3A_10 = tpu.iota {dimensions = array<i32: 0>} : vector<16xi32>
    %add3A_11 = arith.constant 32 : i32
    %add3A_12 = vector.broadcast %add3A_11 : i32 to vector<16xi32>
    %add3A_13 = arith.addi %iota3A_10, %add3A_12 : vector<16xi32>
    %iota3A_14 = tpu.iota {dimensions = array<i32: 0>} : vector<16xi32>
    %add3A_15 = arith.constant 48 : i32
    %add3A_16 = vector.broadcast %add3A_15 : i32 to vector<16xi32>
    %add3A_17 = arith.addi %iota3A_14, %add3A_16 : vector<16xi32>
    %broadcast_in_dim3A = arith.constant 0 : i32
    %broadcast_in_dim3A_18 = vector.broadcast %broadcast_in_dim3A : i32 to vector<16xi32>
    %scan3A = arith.constant 0 : i32
    %scan3A_19 = arith.constant 64 : i32
    %scan3A_20 = arith.addi %scan3A, %scan3A_19 : i32
    %scan3A_21 = arith.constant 1 : i32
    %scan3A_22 = scf.for %scan3A_401 = %scan3A to %scan3A_20 step %scan3A_21 iter_args(%scan3A_402 = %broadcast_in_dim3A_18) -> (vector<16xi32>)  : i32 {
      %mul3A_403 = arith.constant 8 : i32
      %mul3A_404 = arith.muli %scan3A_401, %mul3A_403 : i32
      %get3A = arith.index_cast %mul3A_404 : i32 to index
      %get3A_405 = tpu.vector_load %arg5[%get3A] {strides = array<i32>} : memref<520xi32, #tpu.memory_space<vmem>>, vector<16xi32>,
      %gt3A = arith.constant 0 : i32
      %gt3A_406 = arith.cmpi sgt, %scan3A_401, %gt3A : i32
      %convert_element_type3A = arith.extui %gt3A_406 : i1 to i32
      %cond3A = arith.constant 0 : i32
      %cond3A_407 = arith.cmpi ne, %convert_element_type3A, %cond3A : i32
      scf.if %cond3A_407 {
        %sub3A_744 = arith.constant 1 : i32
        %sub3A_745 = arith.subi %scan3A_401, %sub3A_744 : i32
        %mul3A_746 = arith.constant 8 : i32
        %mul3A_747 = arith.muli %sub3A_745, %mul3A_746 : i32
        %dma_wait3A_748 = arith.constant 0 : i32
        %dma_wait3A_749 = arith.constant 0 : i32
        %dma_wait3A_750 = arith.constant 0 : i32
        %dma_wait3A_751 = tpu.memref_slice %arg6[%dma_wait3A_748, %dma_wait3A_749, %dma_wait3A_750] : memref<8x64x128xf32, #tpu.memory_space<vmem>> -> memref<4x64x128xf32, #tpu.memory_space<vmem>>
        %dma_wait3A_752 = arith.constant 0 : i32
        %dma_wait3A_753 = arith.constant 0 : i32
        %dma_wait3A_754 = tpu.memref_slice %arg3[%dma_wait3A_752, %dma_wait3A_753] : memref<64x1000000xf32, #tpu.memory_space<hbm>> -> memref<64x512xf32, #tpu.memory_space<hbm>>
        %dma_wait3A_755 = arith.constant 0 : i32
        %dma_wait3A_756 = arith.constant 0 : i32
        %dma_wait3A_757 = arith.constant 0 : i32
        %dma_wait3A_758 = tpu.memref_slice %arg6[%dma_wait3A_755, %dma_wait3A_756, %dma_wait3A_757] : memref<8x64x128xf32, #tpu.memory_space<vmem>> -> memref<4x64x128xf32, #tpu.memory_space<vmem>>
        %dma_wait3A_759 = arith.constant 0 : i32
        %dma_wait3A_760 = arith.constant 0 : i32
        %dma_wait3A_761 = tpu.memref_slice %arg3[%dma_wait3A_759, %dma_wait3A_760] : memref<64x1000000xf32, #tpu.memory_space<hbm>> -> memref<64x512xf32, #tpu.memory_space<hbm>>
        tpu.wait_dma2 semaphore(%arg8 : memref<!tpu.dma_semaphore, #tpu.memory_space<semaphore_mem>>) src(%dma_wait3A_761 : memref<64x512xf32, #tpu.memory_space<hbm>>) dst(%dma_wait3A_758 : memref<4x64x128xf32, #tpu.memory_space<vmem>>)
        %slice3A_762 = vector.extract_strided_slice %scan3A_402 {offsets = [0], sizes = [1], strides = [1]} : vector<16xi32> to vector<1xi32>
        %squeeze3A_763 = vector.extract %slice3A_762[0] : i32 from vector<1xi32>
        %jit3A_764 = arith.constant 128 : i32
        %eq3A_765 = arith.constant 0 : i32
        %eq3A_766 = arith.cmpi eq, %jit3A_764, %eq3A_765 : i32
        %jit3A_767 = arith.constant 1 : i32
        %select_n3A_768 = arith.select %eq3A_766, %jit3A_767, %jit3A_764 : i32
        %rem3A_769 = arith.remsi %squeeze3A_763, %select_n3A_768 : i32
        %ne3A_770 = arith.constant 0 : i32
        %ne3A_771 = arith.cmpi ne, %rem3A_769, %ne3A_770 : i32
        %lt3A_772 = arith.constant 0 : i32
        %lt3A_773 = arith.cmpi slt, %rem3A_769, %lt3A_772 : i32
        %lt3A_774 = arith.constant 0 : i32
        %lt3A_775 = arith.cmpi slt, %select_n3A_768, %lt3A_774 : i32
        %ne3A_776 = arith.xori %lt3A_773, %lt3A_775 : i1
        %and3A_777 = arith.andi %ne3A_776, %ne3A_771 : i1
        %add3A_778 = arith.addi %rem3A_769, %select_n3A_768 : i32
        %select_n3A_779 = arith.select %and3A_777, %add3A_778, %rem3A_769 : i32
        %broadcast_in_dim3A_780 = vector.broadcast %select_n3A_779 : i32 to vector<16xi32>
        %add3A_781 = arith.constant 0 : i32
        %add3A_782 = arith.addi %mul3A_747, %add3A_781 : i32
        %broadcast_in_dim3A_783 = vector.broadcast %add3A_782 : i32 to vector<16xi32>
        %gather3A_784 = arith.constant 0 : i32
        %gather3A_785 = arith.constant 0 : i32
        %gather3A_786 = arith.constant 0 : i32
        %gather3A_787 = tpu.memref_slice %arg6[%gather3A_784, %gather3A_785, %gather3A_786] : memref<8x64x128xf32, #tpu.memory_space<vmem>> -> memref<1x64x128xf32, #tpu.memory_space<vmem>>
        %gather3A_788 = tpu.memref_squeeze %gather3A_787 : memref<1x64x128xf32, #tpu.memory_space<vmem>> -> memref<64x128xf32, #tpu.memory_space<vmem>>
        %gather3A_789 = tpu.vector_load_idx %gather3A_788[%add3A_5, %broadcast_in_dim3A_780] : memref<64x128xf32, #tpu.memory_space<vmem>>[vector<16xi32>, vector<16xi32>], vector<16xf32>,
        tpu.vector_store_idx %arg7[%add3A_5, %broadcast_in_dim3A_783], %gather3A_789 : memref<64x512xf32, #tpu.memory_space<vmem>>[vector<16xi32>, vector<16xi32>], vector<16xf32>,
        %gather3A_790 = arith.constant 0 : i32
        %gather3A_791 = arith.constant 0 : i32
        %gather3A_792 = arith.constant 0 : i32
        %gather3A_793 = tpu.memref_slice %arg6[%gather3A_790, %gather3A_791, %gather3A_792] : memref<8x64x128xf32, #tpu.memory_space<vmem>> -> memref<1x64x128xf32, #tpu.memory_space<vmem>>
        %gather3A_794 = tpu.memref_squeeze %gather3A_793 : memref<1x64x128xf32, #tpu.memory_space<vmem>> -> memref<64x128xf32, #tpu.memory_space<vmem>>
        %gather3A_795 = tpu.vector_load_idx %gather3A_794[%add3A_9, %broadcast_in_dim3A_780] : memref<64x128xf32, #tpu.memory_space<vmem>>[vector<16xi32>, vector<16xi32>], vector<16xf32>,
        tpu.vector_store_idx %arg7[%add3A_9, %broadcast_in_dim3A_783], %gather3A_795 : memref<64x512xf32, #tpu.memory_space<vmem>>[vector<16xi32>, vector<16xi32>], vector<16xf32>,
        %gather3A_796 = arith.constant 0 : i32
        %gather3A_797 = arith.constant 0 : i32
        %gather3A_798 = arith.constant 0 : i32
        %gather3A_799 = tpu.memref_slice %arg6[%gather3A_796, %gather3A_797, %gather3A_798] : memref<8x64x128xf32, #tpu.memory_space<vmem>> -> memref<1x64x128xf32, #tpu.memory_space<vmem>>
        %gather3A_800 = tpu.memref_squeeze %gather3A_799 : memref<1x64x128xf32, #tpu.memory_space<vmem>> -> memref<64x128xf32, #tpu.memory_space<vmem>>
        %gather3A_801 = tpu.vector_load_idx %gather3A_800[%add3A_13, %broadcast_in_dim3A_780] : memref<64x128xf32, #tpu.memory_space<vmem>>[vector<16xi32>, vector<16xi32>], vector<16xf32>,
        tpu.vector_store_idx %arg7[%add3A_13, %broadcast_in_dim3A_783], %gather3A_801 : memref<64x512xf32, #tpu.memory_space<vmem>>[vector<16xi32>, vector<16xi32>], vector<16xf32>,
        %gather3A_802 = arith.constant 0 : i32
        %gather3A_803 = arith.constant 0 : i32
        %gather3A_804 = arith.constant 0 : i32
        %gather3A_805 = tpu.memref_slice %arg6[%gather3A_802, %gather3A_803, %gather3A_804] : memref<8x64x128xf32, #tpu.memory_space<vmem>> -> memref<1x64x128xf32, #tpu.memory_space<vmem>>
        %gather3A_806 = tpu.memref_squeeze %gather3A_805 : memref<1x64x128xf32, #tpu.memory_space<vmem>> -> memref<64x128xf32, #tpu.memory_space<vmem>>
        %gather3A_807 = tpu.vector_load_idx %gather3A_806[%add3A_17, %broadcast_in_dim3A_780] : memref<64x128xf32, #tpu.memory_space<vmem>>[vector<16xi32>, vector<16xi32>], vector<16xf32>,
        tpu.vector_store_idx %arg7[%add3A_17, %broadcast_in_dim3A_783], %gather3A_807 : memref<64x512xf32, #tpu.memory_space<vmem>>[vector<16xi32>, vector<16xi32>], vector<16xf32>,
        %slice3A_808 = vector.extract_strided_slice %scan3A_402 {offsets = [1], sizes = [1], strides = [1]} : vector<16xi32> to vector<1xi32>
        %squeeze3A_809 = vector.extract %slice3A_808[0] : i32 from vector<1xi32>
        %jit3A_810 = arith.constant 128 : i32
        %eq3A_811 = arith.constant 0 : i32
        %eq3A_812 = arith.cmpi eq, %jit3A_810, %eq3A_811 : i32
        %jit3A_813 = arith.constant 1 : i32
        %select_n3A_814 = arith.select %eq3A_812, %jit3A_813, %jit3A_810 : i32
        %rem3A_815 = arith.remsi %squeeze3A_809, %select_n3A_814 : i32
        %ne3A_816 = arith.constant 0 : i32
        %ne3A_817 = arith.cmpi ne, %rem3A_815, %ne3A_816 : i32
        %lt3A_818 = arith.constant 0 : i32
        %lt3A_819 = arith.cmpi slt, %rem3A_815, %lt3A_818 : i32
        %lt3A_820 = arith.constant 0 : i32
        %lt3A_821 = arith.cmpi slt, %select_n3A_814, %lt3A_820 : i32
        %ne3A_822 = arith.xori %lt3A_819, %lt3A_821 : i1
        %and3A_823 = arith.andi %ne3A_822, %ne3A_817 : i1
        %add3A_824 = arith.addi %rem3A_815, %select_n3A_814 : i32
        %select_n3A_825 = arith.select %and3A_823, %add3A_824, %rem3A_815 : i32
        %broadcast_in_dim3A_826 = vector.broadcast %select_n3A_825 : i32 to vector<16xi32>
        %add3A_827 = arith.constant 1 : i32
        %add3A_828 = arith.addi %mul3A_747, %add3A_827 : i32
        %broadcast_in_dim3A_829 = vector.broadcast %add3A_828 : i32 to vector<16xi32>
        %gather3A_830 = arith.constant 1 : i32
        %gather3A_831 = arith.constant 0 : i32
        %gather3A_832 = arith.constant 0 : i32
        %gather3A_833 = tpu.memref_slice %arg6[%gather3A_830, %gather3A_831, %gather3A_832] : memref<8x64x128xf32, #tpu.memory_space<vmem>> -> memref<1x64x128xf32, #tpu.memory_space<vmem>>
        %gather3A_834 = tpu.memref_squeeze %gather3A_833 : memref<1x64x128xf32, #tpu.memory_space<vmem>> -> memref<64x128xf32, #tpu.memory_space<vmem>>
        %gather3A_835 = tpu.vector_load_idx %gather3A_834[%add3A_5, %broadcast_in_dim3A_826] : memref<64x128xf32, #tpu.memory_space<vmem>>[vector<16xi32>, vector<16xi32>], vector<16xf32>,
        tpu.vector_store_idx %arg7[%add3A_5, %broadcast_in_dim3A_829], %gather3A_835 : memref<64x512xf32, #tpu.memory_space<vmem>>[vector<16xi32>, vector<16xi32>], vector<16xf32>,
        %gather3A_836 = arith.constant 1 : i32
        %gather3A_837 = arith.constant 0 : i32
        %gather3A_838 = arith.constant 0 : i32
        %gather3A_839 = tpu.memref_slice %arg6[%gather3A_836, %gather3A_837, %gather3A_838] : memref<8x64x128xf32, #tpu.memory_space<vmem>> -> memref<1x64x128xf32, #tpu.memory_space<vmem>>
        %gather3A_840 = tpu.memref_squeeze %gather3A_839 : memref<1x64x128xf32, #tpu.memory_space<vmem>> -> memref<64x128xf32, #tpu.memory_space<vmem>>
        %gather3A_841 = tpu.vector_load_idx %gather3A_840[%add3A_9, %broadcast_in_dim3A_826] : memref<64x128xf32, #tpu.memory_space<vmem>>[vector<16xi32>, vector<16xi32>], vector<16xf32>,
        tpu.vector_store_idx %arg7[%add3A_9, %broadcast_in_dim3A_829], %gather3A_841 : memref<64x512xf32, #tpu.memory_space<vmem>>[vector<16xi32>, vector<16xi32>], vector<16xf32>,
        %gather3A_842 = arith.constant 1 : i32
        %gather3A_843 = arith.constant 0 : i32
        %gather3A_844 = arith.constant 0 : i32
        %gather3A_845 = tpu.memref_slice %arg6[%gather3A_842, %gather3A_843, %gather3A_844] : memref<8x64x128xf32, #tpu.memory_space<vmem>> -> memref<1x64x128xf32, #tpu.memory_space<vmem>>
        %gather3A_846 = tpu.memref_squeeze %gather3A_845 : memref<1x64x128xf32, #tpu.memory_space<vmem>> -> memref<64x128xf32, #tpu.memory_space<vmem>>
        %gather3A_847 = tpu.vector_load_idx %gather3A_846[%add3A_13, %broadcast_in_dim3A_826] : memref<64x128xf32, #tpu.memory_space<vmem>>[vector<16xi32>, vector<16xi32>], vector<16xf32>,
        tpu.vector_store_idx %arg7[%add3A_13, %broadcast_in_dim3A_829], %gather3A_847 : memref<64x512xf32, #tpu.memory_space<vmem>>[vector<16xi32>, vector<16xi32>], vector<16xf32>,
        %gather3A_848 = arith.constant 1 : i32
        %gather3A_849 = arith.constant 0 : i32
        %gather3A_850 = arith.constant 0 : i32
        %gather3A_851 = tpu.memref_slice %arg6[%gather3A_848, %gather3A_849, %gather3A_850] : memref<8x64x128xf32, #tpu.memory_space<vmem>> -> memref<1x64x128xf32, #tpu.memory_space<vmem>>
        %gather3A_852 = tpu.memref_squeeze %gather3A_851 : memref<1x64x128xf32, #tpu.memory_space<vmem>> -> memref<64x128xf32, #tpu.memory_space<vmem>>
        %gather3A_853 = tpu.vector_load_idx %gather3A_852[%add3A_17, %broadcast_in_dim3A_826] : memref<64x128xf32, #tpu.memory_space<vmem>>[vector<16xi32>, vector<16xi32>], vector<16xf32>,
        tpu.vector_store_idx %arg7[%add3A_17, %broadcast_in_dim3A_829], %gather3A_853 : memref<64x512xf32, #tpu.memory_space<vmem>>[vector<16xi32>, vector<16xi32>], vector<16xf32>,
        %slice3A_854 = vector.extract_strided_slice %scan3A_402 {offsets = [2], sizes = [1], strides = [1]} : vector<16xi32> to vector<1xi32>
        %squeeze3A_855 = vector.extract %slice3A_854[0] : i32 from vector<1xi32>
        %jit3A_856 = arith.constant 128 : i32
        %eq3A_857 = arith.constant 0 : i32
        %eq3A_858 = arith.cmpi eq, %jit3A_856, %eq3A_857 : i32
        %jit3A_859 = arith.constant 1 : i32
        %select_n3A_860 = arith.select %eq3A_858, %jit3A_859, %jit3A_856 : i32
        %rem3A_861 = arith.remsi %squeeze3A_855, %select_n3A_860 : i32
        %ne3A_862 = arith.constant 0 : i32
        %ne3A_863 = arith.cmpi ne, %rem3A_861, %ne3A_862 : i32
        %lt3A_864 = arith.constant 0 : i32
        %lt3A_865 = arith.cmpi slt, %rem3A_861, %lt3A_864 : i32
        %lt3A_866 = arith.constant 0 : i32
        %lt3A_867 = arith.cmpi slt, %select_n3A_860, %lt3A_866 : i32
        %ne3A_868 = arith.xori %lt3A_865, %lt3A_867 : i1
        %and3A_869 = arith.andi %ne3A_868, %ne3A_863 : i1
        %add3A_870 = arith.addi %rem3A_861, %select_n3A_860 : i32
        %select_n3A_871 = arith.select %and3A_869, %add3A_870, %rem3A_861 : i32
        %broadcast_in_dim3A_872 = vector.broadcast %select_n3A_871 : i32 to vector<16xi32>
        %add3A_873 = arith.constant 2 : i32
        %add3A_874 = arith.addi %mul3A_747, %add3A_873 : i32
        %broadcast_in_dim3A_875 = vector.broadcast %add3A_874 : i32 to vector<16xi32>
        %gather3A_876 = arith.constant 2 : i32
        %gather3A_877 = arith.constant 0 : i32
        %gather3A_878 = arith.constant 0 : i32
        %gather3A_879 = tpu.memref_slice %arg6[%gather3A_876, %gather3A_877, %gather3A_878] : memref<8x64x128xf32, #tpu.memory_space<vmem>> -> memref<1x64x128xf32, #tpu.memory_space<vmem>>
        %gather3A_880 = tpu.memref_squeeze %gather3A_879 : memref<1x64x128xf32, #tpu.memory_space<vmem>> -> memref<64x128xf32, #tpu.memory_space<vmem>>
        %gather3A_881 = tpu.vector_load_idx %gather3A_880[%add3A_5, %broadcast_in_dim3A_872] : memref<64x128xf32, #tpu.memory_space<vmem>>[vector<16xi32>, vector<16xi32>], vector<16xf32>,
        tpu.vector_store_idx %arg7[%add3A_5, %broadcast_in_dim3A_875], %gather3A_881 : memref<64x512xf32, #tpu.memory_space<vmem>>[vector<16xi32>, vector<16xi32>], vector<16xf32>,
        %gather3A_882 = arith.constant 2 : i32
        %gather3A_883 = arith.constant 0 : i32
        %gather3A_884 = arith.constant 0 : i32
        %gather3A_885 = tpu.memref_slice %arg6[%gather3A_882, %gather3A_883, %gather3A_884] : memref<8x64x128xf32, #tpu.memory_space<vmem>> -> memref<1x64x128xf32, #tpu.memory_space<vmem>>
        %gather3A_886 = tpu.memref_squeeze %gather3A_885 : memref<1x64x128xf32, #tpu.memory_space<vmem>> -> memref<64x128xf32, #tpu.memory_space<vmem>>
        %gather3A_887 = tpu.vector_load_idx %gather3A_886[%add3A_9, %broadcast_in_dim3A_872] : memref<64x128xf32, #tpu.memory_space<vmem>>[vector<16xi32>, vector<16xi32>], vector<16xf32>,
        tpu.vector_store_idx %arg7[%add3A_9, %broadcast_in_dim3A_875], %gather3A_887 : memref<64x512xf32, #tpu.memory_space<vmem>>[vector<16xi32>, vector<16xi32>], vector<16xf32>,
        %gather3A_888 = arith.constant 2 : i32
        %gather3A_889 = arith.constant 0 : i32
        %gather3A_890 = arith.constant 0 : i32
        %gather3A_891 = tpu.memref_slice %arg6[%gather3A_888, %gather3A_889, %gather3A_890] : memref<8x64x128xf32, #tpu.memory_space<vmem>> -> memref<1x64x128xf32, #tpu.memory_space<vmem>>
        %gather3A_892 = tpu.memref_squeeze %gather3A_891 : memref<1x64x128xf32, #tpu.memory_space<vmem>> -> memref<64x128xf32, #tpu.memory_space<vmem>>
        %gather3A_893 = tpu.vector_load_idx %gather3A_892[%add3A_13, %broadcast_in_dim3A_872] : memref<64x128xf32, #tpu.memory_space<vmem>>[vector<16xi32>, vector<16xi32>], vector<16xf32>,
        tpu.vector_store_idx %arg7[%add3A_13, %broadcast_in_dim3A_875], %gather3A_893 : memref<64x512xf32, #tpu.memory_space<vmem>>[vector<16xi32>, vector<16xi32>], vector<16xf32>,
        %gather3A_894 = arith.constant 2 : i32
        %gather3A_895 = arith.constant 0 : i32
        %gather3A_896 = arith.constant 0 : i32
        %gather3A_897 = tpu.memref_slice %arg6[%gather3A_894, %gather3A_895, %gather3A_896] : memref<8x64x128xf32, #tpu.memory_space<vmem>> -> memref<1x64x128xf32, #tpu.memory_space<vmem>>
        %gather3A_898 = tpu.memref_squeeze %gather3A_897 : memref<1x64x128xf32, #tpu.memory_space<vmem>> -> memref<64x128xf32, #tpu.memory_space<vmem>>
        %gather3A_899 = tpu.vector_load_idx %gather3A_898[%add3A_17, %broadcast_in_dim3A_872] : memref<64x128xf32, #tpu.memory_space<vmem>>[vector<16xi32>, vector<16xi32>], vector<16xf32>,
        tpu.vector_store_idx %arg7[%add3A_17, %broadcast_in_dim3A_875], %gather3A_899 : memref<64x512xf32, #tpu.memory_space<vmem>>[vector<16xi32>, vector<16xi32>], vector<16xf32>,
        %slice3A_900 = vector.extract_strided_slice %scan3A_402 {offsets = [3], sizes = [1], strides = [1]} : vector<16xi32> to vector<1xi32>
        %squeeze3A_901 = vector.extract %slice3A_900[0] : i32 from vector<1xi32>
        %jit3A_902 = arith.constant 128 : i32
        %eq3A_903 = arith.constant 0 : i32
        %eq3A_904 = arith.cmpi eq, %jit3A_902, %eq3A_903 : i32
        %jit3A_905 = arith.constant 1 : i32
        %select_n3A_906 = arith.select %eq3A_904, %jit3A_905, %jit3A_902 : i32
        %rem3A_907 = arith.remsi %squeeze3A_901, %select_n3A_906 : i32
        %ne3A_908 = arith.constant 0 : i32
        %ne3A_909 = arith.cmpi ne, %rem3A_907, %ne3A_908 : i32
        %lt3A_910 = arith.constant 0 : i32
        %lt3A_911 = arith.cmpi slt, %rem3A_907, %lt3A_910 : i32
        %lt3A_912 = arith.constant 0 : i32
        %lt3A_913 = arith.cmpi slt, %select_n3A_906, %lt3A_912 : i32
        %ne3A_914 = arith.xori %lt3A_911, %lt3A_913 : i1
        %and3A_915 = arith.andi %ne3A_914, %ne3A_909 : i1
        %add3A_916 = arith.addi %rem3A_907, %select_n3A_906 : i32
        %select_n3A_917 = arith.select %and3A_915, %add3A_916, %rem3A_907 : i32
        %broadcast_in_dim3A_918 = vector.broadcast %select_n3A_917 : i32 to vector<16xi32>
        %add3A_919 = arith.constant 3 : i32
        %add3A_920 = arith.addi %mul3A_747, %add3A_919 : i32
        %broadcast_in_dim3A_921 = vector.broadcast %add3A_920 : i32 to vector<16xi32>
        %gather3A_922 = arith.constant 3 : i32
        %gather3A_923 = arith.constant 0 : i32
        %gather3A_924 = arith.constant 0 : i32
        %gather3A_925 = tpu.memref_slice %arg6[%gather3A_922, %gather3A_923, %gather3A_924] : memref<8x64x128xf32, #tpu.memory_space<vmem>> -> memref<1x64x128xf32, #tpu.memory_space<vmem>>
        %gather3A_926 = tpu.memref_squeeze %gather3A_925 : memref<1x64x128xf32, #tpu.memory_space<vmem>> -> memref<64x128xf32, #tpu.memory_space<vmem>>
        %gather3A_927 = tpu.vector_load_idx %gather3A_926[%add3A_5, %broadcast_in_dim3A_918] : memref<64x128xf32, #tpu.memory_space<vmem>>[vector<16xi32>, vector<16xi32>], vector<16xf32>,
        tpu.vector_store_idx %arg7[%add3A_5, %broadcast_in_dim3A_921], %gather3A_927 : memref<64x512xf32, #tpu.memory_space<vmem>>[vector<16xi32>, vector<16xi32>], vector<16xf32>,
        %gather3A_928 = arith.constant 3 : i32
        %gather3A_929 = arith.constant 0 : i32
        %gather3A_930 = arith.constant 0 : i32
        %gather3A_931 = tpu.memref_slice %arg6[%gather3A_928, %gather3A_929, %gather3A_930] : memref<8x64x128xf32, #tpu.memory_space<vmem>> -> memref<1x64x128xf32, #tpu.memory_space<vmem>>
        %gather3A_932 = tpu.memref_squeeze %gather3A_931 : memref<1x64x128xf32, #tpu.memory_space<vmem>> -> memref<64x128xf32, #tpu.memory_space<vmem>>
        %gather3A_933 = tpu.vector_load_idx %gather3A_932[%add3A_9, %broadcast_in_dim3A_918] : memref<64x128xf32, #tpu.memory_space<vmem>>[vector<16xi32>, vector<16xi32>], vector<16xf32>,
        tpu.vector_store_idx %arg7[%add3A_9, %broadcast_in_dim3A_921], %gather3A_933 : memref<64x512xf32, #tpu.memory_space<vmem>>[vector<16xi32>, vector<16xi32>], vector<16xf32>,
        %gather3A_934 = arith.constant 3 : i32
        %gather3A_935 = arith.constant 0 : i32
        %gather3A_936 = arith.constant 0 : i32
        %gather3A_937 = tpu.memref_slice %arg6[%gather3A_934, %gather3A_935, %gather3A_936] : memref<8x64x128xf32, #tpu.memory_space<vmem>> -> memref<1x64x128xf32, #tpu.memory_space<vmem>>
        %gather3A_938 = tpu.memref_squeeze %gather3A_937 : memref<1x64x128xf32, #tpu.memory_space<vmem>> -> memref<64x128xf32, #tpu.memory_space<vmem>>
        %gather3A_939 = tpu.vector_load_idx %gather3A_938[%add3A_13, %broadcast_in_dim3A_918] : memref<64x128xf32, #tpu.memory_space<vmem>>[vector<16xi32>, vector<16xi32>], vector<16xf32>,
        tpu.vector_store_idx %arg7[%add3A_13, %broadcast_in_dim3A_921], %gather3A_939 : memref<64x512xf32, #tpu.memory_space<vmem>>[vector<16xi32>, vector<16xi32>], vector<16xf32>,
        %gather3A_940 = arith.constant 3 : i32
        %gather3A_941 = arith.constant 0 : i32
        %gather3A_942 = arith.constant 0 : i32
        %gather3A_943 = tpu.memref_slice %arg6[%gather3A_940, %gather3A_941, %gather3A_942] : memref<8x64x128xf32, #tpu.memory_space<vmem>> -> memref<1x64x128xf32, #tpu.memory_space<vmem>>
        %gather3A_944 = tpu.memref_squeeze %gather3A_943 : memref<1x64x128xf32, #tpu.memory_space<vmem>> -> memref<64x128xf32, #tpu.memory_space<vmem>>
        %gather3A_945 = tpu.vector_load_idx %gather3A_944[%add3A_17, %broadcast_in_dim3A_918] : memref<64x128xf32, #tpu.memory_space<vmem>>[vector<16xi32>, vector<16xi32>], vector<16xf32>,
        tpu.vector_store_idx %arg7[%add3A_17, %broadcast_in_dim3A_921], %gather3A_945 : memref<64x512xf32, #tpu.memory_space<vmem>>[vector<16xi32>, vector<16xi32>], vector<16xf32>,
      } else {
      }
      %slice3A_408 = vector.extract_strided_slice %get3A_405 {offsets = [0], sizes = [1], strides = [1]} : vector<16xi32> to vector<1xi32>
      %squeeze3A_409 = vector.extract %slice3A_408[0] : i32 from vector<1xi32>
      %jit3A_410 = arith.constant 128 : i32
      %div3A = arith.divsi %squeeze3A_409, %jit3A_410 : i32
      %sign3A = arith.constant 0 : i32
      %sign3A_411 = arith.cmpi sgt, %squeeze3A_409, %sign3A : i32
      %sign3A_412 = arith.extui %sign3A_411 : i1 to i32
      %sign3A_413 = arith.constant 0 : i32
      %sign3A_414 = arith.cmpi slt, %squeeze3A_409, %sign3A_413 : i32
      %sign3A_415 = arith.extui %sign3A_414 : i1 to i32
      %sign3A_416 = arith.subi %sign3A_412, %sign3A_415 : i32
      %sign3A_417 = arith.constant 0 : i32
      %sign3A_418 = arith.cmpi sgt, %jit3A_410, %sign3A_417 : i32
      %sign3A_419 = arith.extui %sign3A_418 : i1 to i32
      %sign3A_420 = arith.constant 0 : i32
      %sign3A_421 = arith.cmpi slt, %jit3A_410, %sign3A_420 : i32
      %sign3A_422 = arith.extui %sign3A_421 : i1 to i32
      %sign3A_423 = arith.subi %sign3A_419, %sign3A_422 : i32
      %ne3A_424 = arith.cmpi ne, %sign3A_416, %sign3A_423 : i32
      %rem3A_425 = arith.remsi %squeeze3A_409, %jit3A_410 : i32
      %ne3A_426 = arith.constant 0 : i32
      %ne3A_427 = arith.cmpi ne, %rem3A_425, %ne3A_426 : i32
      %and3A_428 = arith.andi %ne3A_424, %ne3A_427 : i1
      %sub3A = arith.constant 1 : i32
      %sub3A_429 = arith.subi %div3A, %sub3A : i32
      %select_n3A_430 = arith.select %and3A_428, %sub3A_429, %div3A : i32
      %mul3A_431 = arith.constant 128 : i32
      %mul3A_432 = arith.muli %select_n3A_430, %mul3A_431 : i32
      %multiple_of3A = tpu.assume_multiple %mul3A_432, 128 : i32
      %dma_start3A = arith.constant 0 : i32
      %dma_start3A_433 = arith.constant 0 : i32
      %dma_start3A_434 = arith.constant 0 : i32
      %dma_start3A_435 = tpu.memref_slice %arg6[%dma_start3A, %dma_start3A_433, %dma_start3A_434] : memref<8x64x128xf32, #tpu.memory_space<vmem>> -> memref<1x64x128xf32, #tpu.memory_space<vmem>>
      %dma_start3A_436 = tpu.memref_squeeze %dma_start3A_435 : memref<1x64x128xf32, #tpu.memory_space<vmem>> -> memref<64x128xf32, #tpu.memory_space<vmem>>
      %dma_start3A_437 = arith.constant 0 : i32
      %dma_start3A_438 = tpu.memref_slice %arg3[%dma_start3A_437, %multiple_of3A] : memref<64x1000000xf32, #tpu.memory_space<hbm>> -> memref<64x128xf32, #tpu.memory_space<hbm>>
      %dma_start3A_439 = arith.constant 0 : i32
      %dma_start3A_440 = arith.constant 0 : i32
      %dma_start3A_441 = tpu.memref_slice %arg6[%dma_start3A, %dma_start3A_439, %dma_start3A_440] : memref<8x64x128xf32, #tpu.memory_space<vmem>> -> memref<1x64x128xf32, #tpu.memory_space<vmem>>
      %dma_start3A_442 = tpu.memref_squeeze %dma_start3A_441 : memref<1x64x128xf32, #tpu.memory_space<vmem>> -> memref<64x128xf32, #tpu.memory_space<vmem>>
      %dma_start3A_443 = arith.constant 0 : i32
      %dma_start3A_444 = tpu.memref_slice %arg3[%dma_start3A_443, %multiple_of3A] : memref<64x1000000xf32, #tpu.memory_space<hbm>> -> memref<64x128xf32, #tpu.memory_space<hbm>>
      tpu.enqueue_dma source(%dma_start3A_444 : memref<64x128xf32, #tpu.memory_space<hbm>>) target(%dma_start3A_442 : memref<64x128xf32, #tpu.memory_space<vmem>>) target_semaphore(%arg8 : memref<!tpu.dma_semaphore, #tpu.memory_space<semaphore_mem>>)
      %slice3A_445 = vector.extract_strided_slice %get3A_405 {offsets = [1], sizes = [1], strides = [1]} : vector<16xi32> to vector<1xi32>
      %squeeze3A_446 = vector.extract %slice3A_445[0] : i32 from vector<1xi32>
      %jit3A_447 = arith.constant 128 : i32
      %div3A_448 = arith.divsi %squeeze3A_446, %jit3A_447 : i32
      %sign3A_449 = arith.constant 0 : i32
      %sign3A_450 = arith.cmpi sgt, %squeeze3A_446, %sign3A_449 : i32
      %sign3A_451 = arith.extui %sign3A_450 : i1 to i32
      %sign3A_452 = arith.constant 0 : i32
      %sign3A_453 = arith.cmpi slt, %squeeze3A_446, %sign3A_452 : i32
      %sign3A_454 = arith.extui %sign3A_453 : i1 to i32
      %sign3A_455 = arith.subi %sign3A_451, %sign3A_454 : i32
      %sign3A_456 = arith.constant 0 : i32
      %sign3A_457 = arith.cmpi sgt, %jit3A_447, %sign3A_456 : i32
      %sign3A_458 = arith.extui %sign3A_457 : i1 to i32
      %sign3A_459 = arith.constant 0 : i32
      %sign3A_460 = arith.cmpi slt, %jit3A_447, %sign3A_459 : i32
      %sign3A_461 = arith.extui %sign3A_460 : i1 to i32
      %sign3A_462 = arith.subi %sign3A_458, %sign3A_461 : i32
      %ne3A_463 = arith.cmpi ne, %sign3A_455, %sign3A_462 : i32
      %rem3A_464 = arith.remsi %squeeze3A_446, %jit3A_447 : i32
      %ne3A_465 = arith.constant 0 : i32
      %ne3A_466 = arith.cmpi ne, %rem3A_464, %ne3A_465 : i32
      %and3A_467 = arith.andi %ne3A_463, %ne3A_466 : i1
      %sub3A_468 = arith.constant 1 : i32
      %sub3A_469 = arith.subi %div3A_448, %sub3A_468 : i32
      %select_n3A_470 = arith.select %and3A_467, %sub3A_469, %div3A_448 : i32
      %mul3A_471 = arith.constant 128 : i32
      %mul3A_472 = arith.muli %select_n3A_470, %mul3A_471 : i32
      %multiple_of3A_473 = tpu.assume_multiple %mul3A_472, 128 : i32
      %dma_start3A_474 = arith.constant 1 : i32
      %dma_start3A_475 = arith.constant 0 : i32
      %dma_start3A_476 = arith.constant 0 : i32
      %dma_start3A_477 = tpu.memref_slice %arg6[%dma_start3A_474, %dma_start3A_475, %dma_start3A_476] : memref<8x64x128xf32, #tpu.memory_space<vmem>> -> memref<1x64x128xf32, #tpu.memory_space<vmem>>
      %dma_start3A_478 = tpu.memref_squeeze %dma_start3A_477 : memref<1x64x128xf32, #tpu.memory_space<vmem>> -> memref<64x128xf32, #tpu.memory_space<vmem>>
      %dma_start3A_479 = arith.constant 0 : i32
      %dma_start3A_480 = tpu.memref_slice %arg3[%dma_start3A_479, %multiple_of3A_473] : memref<64x1000000xf32, #tpu.memory_space<hbm>> -> memref<64x128xf32, #tpu.memory_space<hbm>>
      %dma_start3A_481 = arith.constant 0 : i32
      %dma_start3A_482 = arith.constant 0 : i32
      %dma_start3A_483 = tpu.memref_slice %arg6[%dma_start3A_474, %dma_start3A_481, %dma_start3A_482] : memref<8x64x128xf32, #tpu.memory_space<vmem>> -> memref<1x64x128xf32, #tpu.memory_space<vmem>>
      %dma_start3A_484 = tpu.memref_squeeze %dma_start3A_483 : memref<1x64x128xf32, #tpu.memory_space<vmem>> -> memref<64x128xf32, #tpu.memory_space<vmem>>
      %dma_start3A_485 = arith.constant 0 : i32
      %dma_start3A_486 = tpu.memref_slice %arg3[%dma_start3A_485, %multiple_of3A_473] : memref<64x1000000xf32, #tpu.memory_space<hbm>> -> memref<64x128xf32, #tpu.memory_space<hbm>>
      tpu.enqueue_dma source(%dma_start3A_486 : memref<64x128xf32, #tpu.memory_space<hbm>>) target(%dma_start3A_484 : memref<64x128xf32, #tpu.memory_space<vmem>>) target_semaphore(%arg8 : memref<!tpu.dma_semaphore, #tpu.memory_space<semaphore_mem>>)
      %slice3A_487 = vector.extract_strided_slice %get3A_405 {offsets = [2], sizes = [1], strides = [1]} : vector<16xi32> to vector<1xi32>
      %squeeze3A_488 = vector.extract %slice3A_487[0] : i32 from vector<1xi32>
      %jit3A_489 = arith.constant 128 : i32
      %div3A_490 = arith.divsi %squeeze3A_488, %jit3A_489 : i32
      %sign3A_491 = arith.constant 0 : i32
      %sign3A_492 = arith.cmpi sgt, %squeeze3A_488, %sign3A_491 : i32
      %sign3A_493 = arith.extui %sign3A_492 : i1 to i32
      %sign3A_494 = arith.constant 0 : i32
      %sign3A_495 = arith.cmpi slt, %squeeze3A_488, %sign3A_494 : i32
      %sign3A_496 = arith.extui %sign3A_495 : i1 to i32
      %sign3A_497 = arith.subi %sign3A_493, %sign3A_496 : i32
      %sign3A_498 = arith.constant 0 : i32
      %sign3A_499 = arith.cmpi sgt, %jit3A_489, %sign3A_498 : i32
      %sign3A_500 = arith.extui %sign3A_499 : i1 to i32
      %sign3A_501 = arith.constant 0 : i32
      %sign3A_502 = arith.cmpi slt, %jit3A_489, %sign3A_501 : i32
      %sign3A_503 = arith.extui %sign3A_502 : i1 to i32
      %sign3A_504 = arith.subi %sign3A_500, %sign3A_503 : i32
      %ne3A_505 = arith.cmpi ne, %sign3A_497, %sign3A_504 : i32
      %rem3A_506 = arith.remsi %squeeze3A_488, %jit3A_489 : i32
      %ne3A_507 = arith.constant 0 : i32
      %ne3A_508 = arith.cmpi ne, %rem3A_506, %ne3A_507 : i32
      %and3A_509 = arith.andi %ne3A_505, %ne3A_508 : i1
      %sub3A_510 = arith.constant 1 : i32
      %sub3A_511 = arith.subi %div3A_490, %sub3A_510 : i32
      %select_n3A_512 = arith.select %and3A_509, %sub3A_511, %div3A_490 : i32
      %mul3A_513 = arith.constant 128 : i32
      %mul3A_514 = arith.muli %select_n3A_512, %mul3A_513 : i32
      %multiple_of3A_515 = tpu.assume_multiple %mul3A_514, 128 : i32
      %dma_start3A_516 = arith.constant 2 : i32
      %dma_start3A_517 = arith.constant 0 : i32
      %dma_start3A_518 = arith.constant 0 : i32
      %dma_start3A_519 = tpu.memref_slice %arg6[%dma_start3A_516, %dma_start3A_517, %dma_start3A_518] : memref<8x64x128xf32, #tpu.memory_space<vmem>> -> memref<1x64x128xf32, #tpu.memory_space<vmem>>
      %dma_start3A_520 = tpu.memref_squeeze %dma_start3A_519 : memref<1x64x128xf32, #tpu.memory_space<vmem>> -> memref<64x128xf32, #tpu.memory_space<vmem>>
      %dma_start3A_521 = arith.constant 0 : i32
      %dma_start3A_522 = tpu.memref_slice %arg3[%dma_start3A_521, %multiple_of3A_515] : memref<64x1000000xf32, #tpu.memory_space<hbm>> -> memref<64x128xf32, #tpu.memory_space<hbm>>
      %dma_start3A_523 = arith.constant 0 : i32
      %dma_start3A_524 = arith.constant 0 : i32
      %dma_start3A_525 = tpu.memref_slice %arg6[%dma_start3A_516, %dma_start3A_523, %dma_start3A_524] : memref<8x64x128xf32, #tpu.memory_space<vmem>> -> memref<1x64x128xf32, #tpu.memory_space<vmem>>
      %dma_start3A_526 = tpu.memref_squeeze %dma_start3A_525 : memref<1x64x128xf32, #tpu.memory_space<vmem>> -> memref<64x128xf32, #tpu.memory_space<vmem>>
      %dma_start3A_527 = arith.constant 0 : i32
      %dma_start3A_528 = tpu.memref_slice %arg3[%dma_start3A_527, %multiple_of3A_515] : memref<64x1000000xf32, #tpu.memory_space<hbm>> -> memref<64x128xf32, #tpu.memory_space<hbm>>
      tpu.enqueue_dma source(%dma_start3A_528 : memref<64x128xf32, #tpu.memory_space<hbm>>) target(%dma_start3A_526 : memref<64x128xf32, #tpu.memory_space<vmem>>) target_semaphore(%arg8 : memref<!tpu.dma_semaphore, #tpu.memory_space<semaphore_mem>>)
      %slice3A_529 = vector.extract_strided_slice %get3A_405 {offsets = [3], sizes = [1], strides = [1]} : vector<16xi32> to vector<1xi32>
      %squeeze3A_530 = vector.extract %slice3A_529[0] : i32 from vector<1xi32>
      %jit3A_531 = arith.constant 128 : i32
      %div3A_532 = arith.divsi %squeeze3A_530, %jit3A_531 : i32
      %sign3A_533 = arith.constant 0 : i32
      %sign3A_534 = arith.cmpi sgt, %squeeze3A_530, %sign3A_533 : i32
      %sign3A_535 = arith.extui %sign3A_534 : i1 to i32
      %sign3A_536 = arith.constant 0 : i32
      %sign3A_537 = arith.cmpi slt, %squeeze3A_530, %sign3A_536 : i32
      %sign3A_538 = arith.extui %sign3A_537 : i1 to i32
      %sign3A_539 = arith.subi %sign3A_535, %sign3A_538 : i32
      %sign3A_540 = arith.constant 0 : i32
      %sign3A_541 = arith.cmpi sgt, %jit3A_531, %sign3A_540 : i32
      %sign3A_542 = arith.extui %sign3A_541 : i1 to i32
      %sign3A_543 = arith.constant 0 : i32
      %sign3A_544 = arith.cmpi slt, %jit3A_531, %sign3A_543 : i32
      %sign3A_545 = arith.extui %sign3A_544 : i1 to i32
      %sign3A_546 = arith.subi %sign3A_542, %sign3A_545 : i32
      %ne3A_547 = arith.cmpi ne, %sign3A_539, %sign3A_546 : i32
      %rem3A_548 = arith.remsi %squeeze3A_530, %jit3A_531 : i32
      %ne3A_549 = arith.constant 0 : i32
      %ne3A_550 = arith.cmpi ne, %rem3A_548, %ne3A_549 : i32
      %and3A_551 = arith.andi %ne3A_547, %ne3A_550 : i1
      %sub3A_552 = arith.constant 1 : i32
      %sub3A_553 = arith.subi %div3A_532, %sub3A_552 : i32
      %select_n3A_554 = arith.select %and3A_551, %sub3A_553, %div3A_532 : i32
      %mul3A_555 = arith.constant 128 : i32
      %mul3A_556 = arith.muli %select_n3A_554, %mul3A_555 : i32
      %multiple_of3A_557 = tpu.assume_multiple %mul3A_556, 128 : i32
      %dma_start3A_558 = arith.constant 3 : i32
      %dma_start3A_559 = arith.constant 0 : i32
      %dma_start3A_560 = arith.constant 0 : i32
      %dma_start3A_561 = tpu.memref_slice %arg6[%dma_start3A_558, %dma_start3A_559, %dma_start3A_560] : memref<8x64x128xf32, #tpu.memory_space<vmem>> -> memref<1x64x128xf32, #tpu.memory_space<vmem>>
      %dma_start3A_562 = tpu.memref_squeeze %dma_start3A_561 : memref<1x64x128xf32, #tpu.memory_space<vmem>> -> memref<64x128xf32, #tpu.memory_space<vmem>>
      %dma_start3A_563 = arith.constant 0 : i32
      %dma_start3A_564 = tpu.memref_slice %arg3[%dma_start3A_563, %multiple_of3A_557] : memref<64x1000000xf32, #tpu.memory_space<hbm>> -> memref<64x128xf32, #tpu.memory_space<hbm>>
      %dma_start3A_565 = arith.constant 0 : i32
      %dma_start3A_566 = arith.constant 0 : i32
      %dma_start3A_567 = tpu.memref_slice %arg6[%dma_start3A_558, %dma_start3A_565, %dma_start3A_566] : memref<8x64x128xf32, #tpu.memory_space<vmem>> -> memref<1x64x128xf32, #tpu.memory_space<vmem>>
      %dma_start3A_568 = tpu.memref_squeeze %dma_start3A_567 : memref<1x64x128xf32, #tpu.memory_space<vmem>> -> memref<64x128xf32, #tpu.memory_space<vmem>>
      %dma_start3A_569 = arith.constant 0 : i32
      %dma_start3A_570 = tpu.memref_slice %arg3[%dma_start3A_569, %multiple_of3A_557] : memref<64x1000000xf32, #tpu.memory_space<hbm>> -> memref<64x128xf32, #tpu.memory_space<hbm>>
      tpu.enqueue_dma source(%dma_start3A_570 : memref<64x128xf32, #tpu.memory_space<hbm>>) target(%dma_start3A_568 : memref<64x128xf32, #tpu.memory_space<vmem>>) target_semaphore(%arg8 : memref<!tpu.dma_semaphore, #tpu.memory_space<semaphore_mem>>)
      %gt3A_571 = arith.constant 0 : i32
      %gt3A_572 = arith.cmpi sgt, %scan3A_401, %gt3A_571 : i32
      %convert_element_type3A_573 = arith.extui %gt3A_572 : i1 to i32
      %cond3A_574 = arith.constant 0 : i32
      %cond3A_575 = arith.cmpi ne, %convert_element_type3A_573, %cond3A_574 : i32
      scf.if %cond3A_575 {
        %sub3A_744 = arith.constant 1 : i32
        %sub3A_745 = arith.subi %scan3A_401, %sub3A_744 : i32
        %mul3A_746 = arith.constant 8 : i32
        %mul3A_747 = arith.muli %sub3A_745, %mul3A_746 : i32
        %add3A_748 = arith.constant 4 : i32
        %add3A_749 = arith.addi %mul3A_747, %add3A_748 : i32
        %dma_wait3A_750 = arith.constant 4 : i32
        %dma_wait3A_751 = arith.constant 0 : i32
        %dma_wait3A_752 = arith.constant 0 : i32
        %dma_wait3A_753 = tpu.memref_slice %arg6[%dma_wait3A_750, %dma_wait3A_751, %dma_wait3A_752] : memref<8x64x128xf32, #tpu.memory_space<vmem>> -> memref<4x64x128xf32, #tpu.memory_space<vmem>>
        %dma_wait3A_754 = arith.constant 0 : i32
        %dma_wait3A_755 = arith.constant 0 : i32
        %dma_wait3A_756 = tpu.memref_slice %arg3[%dma_wait3A_754, %dma_wait3A_755] : memref<64x1000000xf32, #tpu.memory_space<hbm>> -> memref<64x512xf32, #tpu.memory_space<hbm>>
        %dma_wait3A_757 = arith.constant 4 : i32
        %dma_wait3A_758 = arith.constant 0 : i32
        %dma_wait3A_759 = arith.constant 0 : i32
        %dma_wait3A_760 = tpu.memref_slice %arg6[%dma_wait3A_757, %dma_wait3A_758, %dma_wait3A_759] : memref<8x64x128xf32, #tpu.memory_space<vmem>> -> memref<4x64x128xf32, #tpu.memory_space<vmem>>
        %dma_wait3A_761 = arith.constant 0 : i32
        %dma_wait3A_762 = arith.constant 0 : i32
        %dma_wait3A_763 = tpu.memref_slice %arg3[%dma_wait3A_761, %dma_wait3A_762] : memref<64x1000000xf32, #tpu.memory_space<hbm>> -> memref<64x512xf32, #tpu.memory_space<hbm>>
        tpu.wait_dma2 semaphore(%arg8 : memref<!tpu.dma_semaphore, #tpu.memory_space<semaphore_mem>>) src(%dma_wait3A_763 : memref<64x512xf32, #tpu.memory_space<hbm>>) dst(%dma_wait3A_760 : memref<4x64x128xf32, #tpu.memory_space<vmem>>)
        %slice3A_764 = vector.extract_strided_slice %scan3A_402 {offsets = [4], sizes = [1], strides = [1]} : vector<16xi32> to vector<1xi32>
        %squeeze3A_765 = vector.extract %slice3A_764[0] : i32 from vector<1xi32>
        %jit3A_766 = arith.constant 128 : i32
        %eq3A_767 = arith.constant 0 : i32
        %eq3A_768 = arith.cmpi eq, %jit3A_766, %eq3A_767 : i32
        %jit3A_769 = arith.constant 1 : i32
        %select_n3A_770 = arith.select %eq3A_768, %jit3A_769, %jit3A_766 : i32
        %rem3A_771 = arith.remsi %squeeze3A_765, %select_n3A_770 : i32
        %ne3A_772 = arith.constant 0 : i32
        %ne3A_773 = arith.cmpi ne, %rem3A_771, %ne3A_772 : i32
        %lt3A_774 = arith.constant 0 : i32
        %lt3A_775 = arith.cmpi slt, %rem3A_771, %lt3A_774 : i32
        %lt3A_776 = arith.constant 0 : i32
        %lt3A_777 = arith.cmpi slt, %select_n3A_770, %lt3A_776 : i32
        %ne3A_778 = arith.xori %lt3A_775, %lt3A_777 : i1
        %and3A_779 = arith.andi %ne3A_778, %ne3A_773 : i1
        %add3A_780 = arith.addi %rem3A_771, %select_n3A_770 : i32
        %select_n3A_781 = arith.select %and3A_779, %add3A_780, %rem3A_771 : i32
        %broadcast_in_dim3A_782 = vector.broadcast %select_n3A_781 : i32 to vector<16xi32>
        %add3A_783 = arith.constant 0 : i32
        %add3A_784 = arith.addi %add3A_749, %add3A_783 : i32
        %broadcast_in_dim3A_785 = vector.broadcast %add3A_784 : i32 to vector<16xi32>
        %gather3A_786 = arith.constant 4 : i32
        %gather3A_787 = arith.constant 0 : i32
        %gather3A_788 = arith.constant 0 : i32
        %gather3A_789 = tpu.memref_slice %arg6[%gather3A_786, %gather3A_787, %gather3A_788] : memref<8x64x128xf32, #tpu.memory_space<vmem>> -> memref<1x64x128xf32, #tpu.memory_space<vmem>>
        %gather3A_790 = tpu.memref_squeeze %gather3A_789 : memref<1x64x128xf32, #tpu.memory_space<vmem>> -> memref<64x128xf32, #tpu.memory_space<vmem>>
        %gather3A_791 = tpu.vector_load_idx %gather3A_790[%add3A_5, %broadcast_in_dim3A_782] : memref<64x128xf32, #tpu.memory_space<vmem>>[vector<16xi32>, vector<16xi32>], vector<16xf32>,
        tpu.vector_store_idx %arg7[%add3A_5, %broadcast_in_dim3A_785], %gather3A_791 : memref<64x512xf32, #tpu.memory_space<vmem>>[vector<16xi32>, vector<16xi32>], vector<16xf32>,
        %gather3A_792 = arith.constant 4 : i32
        %gather3A_793 = arith.constant 0 : i32
        %gather3A_794 = arith.constant 0 : i32
        %gather3A_795 = tpu.memref_slice %arg6[%gather3A_792, %gather3A_793, %gather3A_794] : memref<8x64x128xf32, #tpu.memory_space<vmem>> -> memref<1x64x128xf32, #tpu.memory_space<vmem>>
        %gather3A_796 = tpu.memref_squeeze %gather3A_795 : memref<1x64x128xf32, #tpu.memory_space<vmem>> -> memref<64x128xf32, #tpu.memory_space<vmem>>
        %gather3A_797 = tpu.vector_load_idx %gather3A_796[%add3A_9, %broadcast_in_dim3A_782] : memref<64x128xf32, #tpu.memory_space<vmem>>[vector<16xi32>, vector<16xi32>], vector<16xf32>,
        tpu.vector_store_idx %arg7[%add3A_9, %broadcast_in_dim3A_785], %gather3A_797 : memref<64x512xf32, #tpu.memory_space<vmem>>[vector<16xi32>, vector<16xi32>], vector<16xf32>,
        %gather3A_798 = arith.constant 4 : i32
        %gather3A_799 = arith.constant 0 : i32
        %gather3A_800 = arith.constant 0 : i32
        %gather3A_801 = tpu.memref_slice %arg6[%gather3A_798, %gather3A_799, %gather3A_800] : memref<8x64x128xf32, #tpu.memory_space<vmem>> -> memref<1x64x128xf32, #tpu.memory_space<vmem>>
        %gather3A_802 = tpu.memref_squeeze %gather3A_801 : memref<1x64x128xf32, #tpu.memory_space<vmem>> -> memref<64x128xf32, #tpu.memory_space<vmem>>
        %gather3A_803 = tpu.vector_load_idx %gather3A_802[%add3A_13, %broadcast_in_dim3A_782] : memref<64x128xf32, #tpu.memory_space<vmem>>[vector<16xi32>, vector<16xi32>], vector<16xf32>,
        tpu.vector_store_idx %arg7[%add3A_13, %broadcast_in_dim3A_785], %gather3A_803 : memref<64x512xf32, #tpu.memory_space<vmem>>[vector<16xi32>, vector<16xi32>], vector<16xf32>,
        %gather3A_804 = arith.constant 4 : i32
        %gather3A_805 = arith.constant 0 : i32
        %gather3A_806 = arith.constant 0 : i32
        %gather3A_807 = tpu.memref_slice %arg6[%gather3A_804, %gather3A_805, %gather3A_806] : memref<8x64x128xf32, #tpu.memory_space<vmem>> -> memref<1x64x128xf32, #tpu.memory_space<vmem>>
        %gather3A_808 = tpu.memref_squeeze %gather3A_807 : memref<1x64x128xf32, #tpu.memory_space<vmem>> -> memref<64x128xf32, #tpu.memory_space<vmem>>
        %gather3A_809 = tpu.vector_load_idx %gather3A_808[%add3A_17, %broadcast_in_dim3A_782] : memref<64x128xf32, #tpu.memory_space<vmem>>[vector<16xi32>, vector<16xi32>], vector<16xf32>,
        tpu.vector_store_idx %arg7[%add3A_17, %broadcast_in_dim3A_785], %gather3A_809 : memref<64x512xf32, #tpu.memory_space<vmem>>[vector<16xi32>, vector<16xi32>], vector<16xf32>,
        %slice3A_810 = vector.extract_strided_slice %scan3A_402 {offsets = [5], sizes = [1], strides = [1]} : vector<16xi32> to vector<1xi32>
        %squeeze3A_811 = vector.extract %slice3A_810[0] : i32 from vector<1xi32>
        %jit3A_812 = arith.constant 128 : i32
        %eq3A_813 = arith.constant 0 : i32
        %eq3A_814 = arith.cmpi eq, %jit3A_812, %eq3A_813 : i32
        %jit3A_815 = arith.constant 1 : i32
        %select_n3A_816 = arith.select %eq3A_814, %jit3A_815, %jit3A_812 : i32
        %rem3A_817 = arith.remsi %squeeze3A_811, %select_n3A_816 : i32
        %ne3A_818 = arith.constant 0 : i32
        %ne3A_819 = arith.cmpi ne, %rem3A_817, %ne3A_818 : i32
        %lt3A_820 = arith.constant 0 : i32
        %lt3A_821 = arith.cmpi slt, %rem3A_817, %lt3A_820 : i32
        %lt3A_822 = arith.constant 0 : i32
        %lt3A_823 = arith.cmpi slt, %select_n3A_816, %lt3A_822 : i32
        %ne3A_824 = arith.xori %lt3A_821, %lt3A_823 : i1
        %and3A_825 = arith.andi %ne3A_824, %ne3A_819 : i1
        %add3A_826 = arith.addi %rem3A_817, %select_n3A_816 : i32
        %select_n3A_827 = arith.select %and3A_825, %add3A_826, %rem3A_817 : i32
        %broadcast_in_dim3A_828 = vector.broadcast %select_n3A_827 : i32 to vector<16xi32>
        %add3A_829 = arith.constant 1 : i32
        %add3A_830 = arith.addi %add3A_749, %add3A_829 : i32
        %broadcast_in_dim3A_831 = vector.broadcast %add3A_830 : i32 to vector<16xi32>
        %gather3A_832 = arith.constant 5 : i32
        %gather3A_833 = arith.constant 0 : i32
        %gather3A_834 = arith.constant 0 : i32
        %gather3A_835 = tpu.memref_slice %arg6[%gather3A_832, %gather3A_833, %gather3A_834] : memref<8x64x128xf32, #tpu.memory_space<vmem>> -> memref<1x64x128xf32, #tpu.memory_space<vmem>>
        %gather3A_836 = tpu.memref_squeeze %gather3A_835 : memref<1x64x128xf32, #tpu.memory_space<vmem>> -> memref<64x128xf32, #tpu.memory_space<vmem>>
        %gather3A_837 = tpu.vector_load_idx %gather3A_836[%add3A_5, %broadcast_in_dim3A_828] : memref<64x128xf32, #tpu.memory_space<vmem>>[vector<16xi32>, vector<16xi32>], vector<16xf32>,
        tpu.vector_store_idx %arg7[%add3A_5, %broadcast_in_dim3A_831], %gather3A_837 : memref<64x512xf32, #tpu.memory_space<vmem>>[vector<16xi32>, vector<16xi32>], vector<16xf32>,
        %gather3A_838 = arith.constant 5 : i32
        %gather3A_839 = arith.constant 0 : i32
        %gather3A_840 = arith.constant 0 : i32
        %gather3A_841 = tpu.memref_slice %arg6[%gather3A_838, %gather3A_839, %gather3A_840] : memref<8x64x128xf32, #tpu.memory_space<vmem>> -> memref<1x64x128xf32, #tpu.memory_space<vmem>>
        %gather3A_842 = tpu.memref_squeeze %gather3A_841 : memref<1x64x128xf32, #tpu.memory_space<vmem>> -> memref<64x128xf32, #tpu.memory_space<vmem>>
        %gather3A_843 = tpu.vector_load_idx %gather3A_842[%add3A_9, %broadcast_in_dim3A_828] : memref<64x128xf32, #tpu.memory_space<vmem>>[vector<16xi32>, vector<16xi32>], vector<16xf32>,
        tpu.vector_store_idx %arg7[%add3A_9, %broadcast_in_dim3A_831], %gather3A_843 : memref<64x512xf32, #tpu.memory_space<vmem>>[vector<16xi32>, vector<16xi32>], vector<16xf32>,
        %gather3A_844 = arith.constant 5 : i32
        %gather3A_845 = arith.constant 0 : i32
        %gather3A_846 = arith.constant 0 : i32
        %gather3A_847 = tpu.memref_slice %arg6[%gather3A_844, %gather3A_845, %gather3A_846] : memref<8x64x128xf32, #tpu.memory_space<vmem>> -> memref<1x64x128xf32, #tpu.memory_space<vmem>>
        %gather3A_848 = tpu.memref_squeeze %gather3A_847 : memref<1x64x128xf32, #tpu.memory_space<vmem>> -> memref<64x128xf32, #tpu.memory_space<vmem>>
        %gather3A_849 = tpu.vector_load_idx %gather3A_848[%add3A_13, %broadcast_in_dim3A_828] : memref<64x128xf32, #tpu.memory_space<vmem>>[vector<16xi32>, vector<16xi32>], vector<16xf32>,
        tpu.vector_store_idx %arg7[%add3A_13, %broadcast_in_dim3A_831], %gather3A_849 : memref<64x512xf32, #tpu.memory_space<vmem>>[vector<16xi32>, vector<16xi32>], vector<16xf32>,
        %gather3A_850 = arith.constant 5 : i32
        %gather3A_851 = arith.constant 0 : i32
        %gather3A_852 = arith.constant 0 : i32
        %gather3A_853 = tpu.memref_slice %arg6[%gather3A_850, %gather3A_851, %gather3A_852] : memref<8x64x128xf32, #tpu.memory_space<vmem>> -> memref<1x64x128xf32, #tpu.memory_space<vmem>>
        %gather3A_854 = tpu.memref_squeeze %gather3A_853 : memref<1x64x128xf32, #tpu.memory_space<vmem>> -> memref<64x128xf32, #tpu.memory_space<vmem>>
        %gather3A_855 = tpu.vector_load_idx %gather3A_854[%add3A_17, %broadcast_in_dim3A_828] : memref<64x128xf32, #tpu.memory_space<vmem>>[vector<16xi32>, vector<16xi32>], vector<16xf32>,
        tpu.vector_store_idx %arg7[%add3A_17, %broadcast_in_dim3A_831], %gather3A_855 : memref<64x512xf32, #tpu.memory_space<vmem>>[vector<16xi32>, vector<16xi32>], vector<16xf32>,
        %slice3A_856 = vector.extract_strided_slice %scan3A_402 {offsets = [6], sizes = [1], strides = [1]} : vector<16xi32> to vector<1xi32>
        %squeeze3A_857 = vector.extract %slice3A_856[0] : i32 from vector<1xi32>
        %jit3A_858 = arith.constant 128 : i32
        %eq3A_859 = arith.constant 0 : i32
        %eq3A_860 = arith.cmpi eq, %jit3A_858, %eq3A_859 : i32
        %jit3A_861 = arith.constant 1 : i32
        %select_n3A_862 = arith.select %eq3A_860, %jit3A_861, %jit3A_858 : i32
        %rem3A_863 = arith.remsi %squeeze3A_857, %select_n3A_862 : i32
        %ne3A_864 = arith.constant 0 : i32
        %ne3A_865 = arith.cmpi ne, %rem3A_863, %ne3A_864 : i32
        %lt3A_866 = arith.constant 0 : i32
        %lt3A_867 = arith.cmpi slt, %rem3A_863, %lt3A_866 : i32
        %lt3A_868 = arith.constant 0 : i32
        %lt3A_869 = arith.cmpi slt, %select_n3A_862, %lt3A_868 : i32
        %ne3A_870 = arith.xori %lt3A_867, %lt3A_869 : i1
        %and3A_871 = arith.andi %ne3A_870, %ne3A_865 : i1
        %add3A_872 = arith.addi %rem3A_863, %select_n3A_862 : i32
        %select_n3A_873 = arith.select %and3A_871, %add3A_872, %rem3A_863 : i32
        %broadcast_in_dim3A_874 = vector.broadcast %select_n3A_873 : i32 to vector<16xi32>
        %add3A_875 = arith.constant 2 : i32
        %add3A_876 = arith.addi %add3A_749, %add3A_875 : i32
        %broadcast_in_dim3A_877 = vector.broadcast %add3A_876 : i32 to vector<16xi32>
        %gather3A_878 = arith.constant 6 : i32
        %gather3A_879 = arith.constant 0 : i32
        %gather3A_880 = arith.constant 0 : i32
        %gather3A_881 = tpu.memref_slice %arg6[%gather3A_878, %gather3A_879, %gather3A_880] : memref<8x64x128xf32, #tpu.memory_space<vmem>> -> memref<1x64x128xf32, #tpu.memory_space<vmem>>
        %gather3A_882 = tpu.memref_squeeze %gather3A_881 : memref<1x64x128xf32, #tpu.memory_space<vmem>> -> memref<64x128xf32, #tpu.memory_space<vmem>>
        %gather3A_883 = tpu.vector_load_idx %gather3A_882[%add3A_5, %broadcast_in_dim3A_874] : memref<64x128xf32, #tpu.memory_space<vmem>>[vector<16xi32>, vector<16xi32>], vector<16xf32>,
        tpu.vector_store_idx %arg7[%add3A_5, %broadcast_in_dim3A_877], %gather3A_883 : memref<64x512xf32, #tpu.memory_space<vmem>>[vector<16xi32>, vector<16xi32>], vector<16xf32>,
        %gather3A_884 = arith.constant 6 : i32
        %gather3A_885 = arith.constant 0 : i32
        %gather3A_886 = arith.constant 0 : i32
        %gather3A_887 = tpu.memref_slice %arg6[%gather3A_884, %gather3A_885, %gather3A_886] : memref<8x64x128xf32, #tpu.memory_space<vmem>> -> memref<1x64x128xf32, #tpu.memory_space<vmem>>
        %gather3A_888 = tpu.memref_squeeze %gather3A_887 : memref<1x64x128xf32, #tpu.memory_space<vmem>> -> memref<64x128xf32, #tpu.memory_space<vmem>>
        %gather3A_889 = tpu.vector_load_idx %gather3A_888[%add3A_9, %broadcast_in_dim3A_874] : memref<64x128xf32, #tpu.memory_space<vmem>>[vector<16xi32>, vector<16xi32>], vector<16xf32>,
        tpu.vector_store_idx %arg7[%add3A_9, %broadcast_in_dim3A_877], %gather3A_889 : memref<64x512xf32, #tpu.memory_space<vmem>>[vector<16xi32>, vector<16xi32>], vector<16xf32>,
        %gather3A_890 = arith.constant 6 : i32
        %gather3A_891 = arith.constant 0 : i32
        %gather3A_892 = arith.constant 0 : i32
        %gather3A_893 = tpu.memref_slice %arg6[%gather3A_890, %gather3A_891, %gather3A_892] : memref<8x64x128xf32, #tpu.memory_space<vmem>> -> memref<1x64x128xf32, #tpu.memory_space<vmem>>
        %gather3A_894 = tpu.memref_squeeze %gather3A_893 : memref<1x64x128xf32, #tpu.memory_space<vmem>> -> memref<64x128xf32, #tpu.memory_space<vmem>>
        %gather3A_895 = tpu.vector_load_idx %gather3A_894[%add3A_13, %broadcast_in_dim3A_874] : memref<64x128xf32, #tpu.memory_space<vmem>>[vector<16xi32>, vector<16xi32>], vector<16xf32>,
        tpu.vector_store_idx %arg7[%add3A_13, %broadcast_in_dim3A_877], %gather3A_895 : memref<64x512xf32, #tpu.memory_space<vmem>>[vector<16xi32>, vector<16xi32>], vector<16xf32>,
        %gather3A_896 = arith.constant 6 : i32
        %gather3A_897 = arith.constant 0 : i32
        %gather3A_898 = arith.constant 0 : i32
        %gather3A_899 = tpu.memref_slice %arg6[%gather3A_896, %gather3A_897, %gather3A_898] : memref<8x64x128xf32, #tpu.memory_space<vmem>> -> memref<1x64x128xf32, #tpu.memory_space<vmem>>
        %gather3A_900 = tpu.memref_squeeze %gather3A_899 : memref<1x64x128xf32, #tpu.memory_space<vmem>> -> memref<64x128xf32, #tpu.memory_space<vmem>>
        %gather3A_901 = tpu.vector_load_idx %gather3A_900[%add3A_17, %broadcast_in_dim3A_874] : memref<64x128xf32, #tpu.memory_space<vmem>>[vector<16xi32>, vector<16xi32>], vector<16xf32>,
        tpu.vector_store_idx %arg7[%add3A_17, %broadcast_in_dim3A_877], %gather3A_901 : memref<64x512xf32, #tpu.memory_space<vmem>>[vector<16xi32>, vector<16xi32>], vector<16xf32>,
        %slice3A_902 = vector.extract_strided_slice %scan3A_402 {offsets = [7], sizes = [1], strides = [1]} : vector<16xi32> to vector<1xi32>
        %squeeze3A_903 = vector.extract %slice3A_902[0] : i32 from vector<1xi32>
        %jit3A_904 = arith.constant 128 : i32
        %eq3A_905 = arith.constant 0 : i32
        %eq3A_906 = arith.cmpi eq, %jit3A_904, %eq3A_905 : i32
        %jit3A_907 = arith.constant 1 : i32
        %select_n3A_908 = arith.select %eq3A_906, %jit3A_907, %jit3A_904 : i32
        %rem3A_909 = arith.remsi %squeeze3A_903, %select_n3A_908 : i32
        %ne3A_910 = arith.constant 0 : i32
        %ne3A_911 = arith.cmpi ne, %rem3A_909, %ne3A_910 : i32
        %lt3A_912 = arith.constant 0 : i32
        %lt3A_913 = arith.cmpi slt, %rem3A_909, %lt3A_912 : i32
        %lt3A_914 = arith.constant 0 : i32
        %lt3A_915 = arith.cmpi slt, %select_n3A_908, %lt3A_914 : i32
        %ne3A_916 = arith.xori %lt3A_913, %lt3A_915 : i1
        %and3A_917 = arith.andi %ne3A_916, %ne3A_911 : i1
        %add3A_918 = arith.addi %rem3A_909, %select_n3A_908 : i32
        %select_n3A_919 = arith.select %and3A_917, %add3A_918, %rem3A_909 : i32
        %broadcast_in_dim3A_920 = vector.broadcast %select_n3A_919 : i32 to vector<16xi32>
        %add3A_921 = arith.constant 3 : i32
        %add3A_922 = arith.addi %add3A_749, %add3A_921 : i32
        %broadcast_in_dim3A_923 = vector.broadcast %add3A_922 : i32 to vector<16xi32>
        %gather3A_924 = arith.constant 7 : i32
        %gather3A_925 = arith.constant 0 : i32
        %gather3A_926 = arith.constant 0 : i32
        %gather3A_927 = tpu.memref_slice %arg6[%gather3A_924, %gather3A_925, %gather3A_926] : memref<8x64x128xf32, #tpu.memory_space<vmem>> -> memref<1x64x128xf32, #tpu.memory_space<vmem>>
        %gather3A_928 = tpu.memref_squeeze %gather3A_927 : memref<1x64x128xf32, #tpu.memory_space<vmem>> -> memref<64x128xf32, #tpu.memory_space<vmem>>
        %gather3A_929 = tpu.vector_load_idx %gather3A_928[%add3A_5, %broadcast_in_dim3A_920] : memref<64x128xf32, #tpu.memory_space<vmem>>[vector<16xi32>, vector<16xi32>], vector<16xf32>,
        tpu.vector_store_idx %arg7[%add3A_5, %broadcast_in_dim3A_923], %gather3A_929 : memref<64x512xf32, #tpu.memory_space<vmem>>[vector<16xi32>, vector<16xi32>], vector<16xf32>,
        %gather3A_930 = arith.constant 7 : i32
        %gather3A_931 = arith.constant 0 : i32
        %gather3A_932 = arith.constant 0 : i32
        %gather3A_933 = tpu.memref_slice %arg6[%gather3A_930, %gather3A_931, %gather3A_932] : memref<8x64x128xf32, #tpu.memory_space<vmem>> -> memref<1x64x128xf32, #tpu.memory_space<vmem>>
        %gather3A_934 = tpu.memref_squeeze %gather3A_933 : memref<1x64x128xf32, #tpu.memory_space<vmem>> -> memref<64x128xf32, #tpu.memory_space<vmem>>
        %gather3A_935 = tpu.vector_load_idx %gather3A_934[%add3A_9, %broadcast_in_dim3A_920] : memref<64x128xf32, #tpu.memory_space<vmem>>[vector<16xi32>, vector<16xi32>], vector<16xf32>,
        tpu.vector_store_idx %arg7[%add3A_9, %broadcast_in_dim3A_923], %gather3A_935 : memref<64x512xf32, #tpu.memory_space<vmem>>[vector<16xi32>, vector<16xi32>], vector<16xf32>,
        %gather3A_936 = arith.constant 7 : i32
        %gather3A_937 = arith.constant 0 : i32
        %gather3A_938 = arith.constant 0 : i32
        %gather3A_939 = tpu.memref_slice %arg6[%gather3A_936, %gather3A_937, %gather3A_938] : memref<8x64x128xf32, #tpu.memory_space<vmem>> -> memref<1x64x128xf32, #tpu.memory_space<vmem>>
        %gather3A_940 = tpu.memref_squeeze %gather3A_939 : memref<1x64x128xf32, #tpu.memory_space<vmem>> -> memref<64x128xf32, #tpu.memory_space<vmem>>
        %gather3A_941 = tpu.vector_load_idx %gather3A_940[%add3A_13, %broadcast_in_dim3A_920] : memref<64x128xf32, #tpu.memory_space<vmem>>[vector<16xi32>, vector<16xi32>], vector<16xf32>,
        tpu.vector_store_idx %arg7[%add3A_13, %broadcast_in_dim3A_923], %gather3A_941 : memref<64x512xf32, #tpu.memory_space<vmem>>[vector<16xi32>, vector<16xi32>], vector<16xf32>,
        %gather3A_942 = arith.constant 7 : i32
        %gather3A_943 = arith.constant 0 : i32
        %gather3A_944 = arith.constant 0 : i32
        %gather3A_945 = tpu.memref_slice %arg6[%gather3A_942, %gather3A_943, %gather3A_944] : memref<8x64x128xf32, #tpu.memory_space<vmem>> -> memref<1x64x128xf32, #tpu.memory_space<vmem>>
        %gather3A_946 = tpu.memref_squeeze %gather3A_945 : memref<1x64x128xf32, #tpu.memory_space<vmem>> -> memref<64x128xf32, #tpu.memory_space<vmem>>
        %gather3A_947 = tpu.vector_load_idx %gather3A_946[%add3A_17, %broadcast_in_dim3A_920] : memref<64x128xf32, #tpu.memory_space<vmem>>[vector<16xi32>, vector<16xi32>], vector<16xf32>,
        tpu.vector_store_idx %arg7[%add3A_17, %broadcast_in_dim3A_923], %gather3A_947 : memref<64x512xf32, #tpu.memory_space<vmem>>[vector<16xi32>, vector<16xi32>], vector<16xf32>,
      } else {
      }
      %slice3A_576 = vector.extract_strided_slice %get3A_405 {offsets = [4], sizes = [1], strides = [1]} : vector<16xi32> to vector<1xi32>
      %squeeze3A_577 = vector.extract %slice3A_576[0] : i32 from vector<1xi32>
      %jit3A_578 = arith.constant 128 : i32
      %div3A_579 = arith.divsi %squeeze3A_577, %jit3A_578 : i32
      %sign3A_580 = arith.constant 0 : i32
      %sign3A_581 = arith.cmpi sgt, %squeeze3A_577, %sign3A_580 : i32
      %sign3A_582 = arith.extui %sign3A_581 : i1 to i32
      %sign3A_583 = arith.constant 0 : i32
      %sign3A_584 = arith.cmpi slt, %squeeze3A_577, %sign3A_583 : i32
      %sign3A_585 = arith.extui %sign3A_584 : i1 to i32
      %sign3A_586 = arith.subi %sign3A_582, %sign3A_585 : i32
      %sign3A_587 = arith.constant 0 : i32
      %sign3A_588 = arith.cmpi sgt, %jit3A_578, %sign3A_587 : i32
      %sign3A_589 = arith.extui %sign3A_588 : i1 to i32
      %sign3A_590 = arith.constant 0 : i32
      %sign3A_591 = arith.cmpi slt, %jit3A_578, %sign3A_590 : i32
      %sign3A_592 = arith.extui %sign3A_591 : i1 to i32
      %sign3A_593 = arith.subi %sign3A_589, %sign3A_592 : i32
      %ne3A_594 = arith.cmpi ne, %sign3A_586, %sign3A_593 : i32
      %rem3A_595 = arith.remsi %squeeze3A_577, %jit3A_578 : i32
      %ne3A_596 = arith.constant 0 : i32
      %ne3A_597 = arith.cmpi ne, %rem3A_595, %ne3A_596 : i32
      %and3A_598 = arith.andi %ne3A_594, %ne3A_597 : i1
      %sub3A_599 = arith.constant 1 : i32
      %sub3A_600 = arith.subi %div3A_579, %sub3A_599 : i32
      %select_n3A_601 = arith.select %and3A_598, %sub3A_600, %div3A_579 : i32
      %mul3A_602 = arith.constant 128 : i32
      %mul3A_603 = arith.muli %select_n3A_601, %mul3A_602 : i32
      %multiple_of3A_604 = tpu.assume_multiple %mul3A_603, 128 : i32
      %dma_start3A_605 = arith.constant 4 : i32
      %dma_start3A_606 = arith.constant 0 : i32
      %dma_start3A_607 = arith.constant 0 : i32
      %dma_start3A_608 = tpu.memref_slice %arg6[%dma_start3A_605, %dma_start3A_606, %dma_start3A_607] : memref<8x64x128xf32, #tpu.memory_space<vmem>> -> memref<1x64x128xf32, #tpu.memory_space<vmem>>
      %dma_start3A_609 = tpu.memref_squeeze %dma_start3A_608 : memref<1x64x128xf32, #tpu.memory_space<vmem>> -> memref<64x128xf32, #tpu.memory_space<vmem>>
      %dma_start3A_610 = arith.constant 0 : i32
      %dma_start3A_611 = tpu.memref_slice %arg3[%dma_start3A_610, %multiple_of3A_604] : memref<64x1000000xf32, #tpu.memory_space<hbm>> -> memref<64x128xf32, #tpu.memory_space<hbm>>
      %dma_start3A_612 = arith.constant 0 : i32
      %dma_start3A_613 = arith.constant 0 : i32
      %dma_start3A_614 = tpu.memref_slice %arg6[%dma_start3A_605, %dma_start3A_612, %dma_start3A_613] : memref<8x64x128xf32, #tpu.memory_space<vmem>> -> memref<1x64x128xf32, #tpu.memory_space<vmem>>
      %dma_start3A_615 = tpu.memref_squeeze %dma_start3A_614 : memref<1x64x128xf32, #tpu.memory_space<vmem>> -> memref<64x128xf32, #tpu.memory_space<vmem>>
      %dma_start3A_616 = arith.constant 0 : i32
      %dma_start3A_617 = tpu.memref_slice %arg3[%dma_start3A_616, %multiple_of3A_604] : memref<64x1000000xf32, #tpu.memory_space<hbm>> -> memref<64x128xf32, #tpu.memory_space<hbm>>
      tpu.enqueue_dma source(%dma_start3A_617 : memref<64x128xf32, #tpu.memory_space<hbm>>) target(%dma_start3A_615 : memref<64x128xf32, #tpu.memory_space<vmem>>) target_semaphore(%arg8 : memref<!tpu.dma_semaphore, #tpu.memory_space<semaphore_mem>>)
      %slice3A_618 = vector.extract_strided_slice %get3A_405 {offsets = [5], sizes = [1], strides = [1]} : vector<16xi32> to vector<1xi32>
      %squeeze3A_619 = vector.extract %slice3A_618[0] : i32 from vector<1xi32>
      %jit3A_620 = arith.constant 128 : i32
      %div3A_621 = arith.divsi %squeeze3A_619, %jit3A_620 : i32
      %sign3A_622 = arith.constant 0 : i32
      %sign3A_623 = arith.cmpi sgt, %squeeze3A_619, %sign3A_622 : i32
      %sign3A_624 = arith.extui %sign3A_623 : i1 to i32
      %sign3A_625 = arith.constant 0 : i32
      %sign3A_626 = arith.cmpi slt, %squeeze3A_619, %sign3A_625 : i32
      %sign3A_627 = arith.extui %sign3A_626 : i1 to i32
      %sign3A_628 = arith.subi %sign3A_624, %sign3A_627 : i32
      %sign3A_629 = arith.constant 0 : i32
      %sign3A_630 = arith.cmpi sgt, %jit3A_620, %sign3A_629 : i32
      %sign3A_631 = arith.extui %sign3A_630 : i1 to i32
      %sign3A_632 = arith.constant 0 : i32
      %sign3A_633 = arith.cmpi slt, %jit3A_620, %sign3A_632 : i32
      %sign3A_634 = arith.extui %sign3A_633 : i1 to i32
      %sign3A_635 = arith.subi %sign3A_631, %sign3A_634 : i32
      %ne3A_636 = arith.cmpi ne, %sign3A_628, %sign3A_635 : i32
      %rem3A_637 = arith.remsi %squeeze3A_619, %jit3A_620 : i32
      %ne3A_638 = arith.constant 0 : i32
      %ne3A_639 = arith.cmpi ne, %rem3A_637, %ne3A_638 : i32
      %and3A_640 = arith.andi %ne3A_636, %ne3A_639 : i1
      %sub3A_641 = arith.constant 1 : i32
      %sub3A_642 = arith.subi %div3A_621, %sub3A_641 : i32
      %select_n3A_643 = arith.select %and3A_640, %sub3A_642, %div3A_621 : i32
      %mul3A_644 = arith.constant 128 : i32
      %mul3A_645 = arith.muli %select_n3A_643, %mul3A_644 : i32
      %multiple_of3A_646 = tpu.assume_multiple %mul3A_645, 128 : i32
      %dma_start3A_647 = arith.constant 5 : i32
      %dma_start3A_648 = arith.constant 0 : i32
      %dma_start3A_649 = arith.constant 0 : i32
      %dma_start3A_650 = tpu.memref_slice %arg6[%dma_start3A_647, %dma_start3A_648, %dma_start3A_649] : memref<8x64x128xf32, #tpu.memory_space<vmem>> -> memref<1x64x128xf32, #tpu.memory_space<vmem>>
      %dma_start3A_651 = tpu.memref_squeeze %dma_start3A_650 : memref<1x64x128xf32, #tpu.memory_space<vmem>> -> memref<64x128xf32, #tpu.memory_space<vmem>>
      %dma_start3A_652 = arith.constant 0 : i32
      %dma_start3A_653 = tpu.memref_slice %arg3[%dma_start3A_652, %multiple_of3A_646] : memref<64x1000000xf32, #tpu.memory_space<hbm>> -> memref<64x128xf32, #tpu.memory_space<hbm>>
      %dma_start3A_654 = arith.constant 0 : i32
      %dma_start3A_655 = arith.constant 0 : i32
      %dma_start3A_656 = tpu.memref_slice %arg6[%dma_start3A_647, %dma_start3A_654, %dma_start3A_655] : memref<8x64x128xf32, #tpu.memory_space<vmem>> -> memref<1x64x128xf32, #tpu.memory_space<vmem>>
      %dma_start3A_657 = tpu.memref_squeeze %dma_start3A_656 : memref<1x64x128xf32, #tpu.memory_space<vmem>> -> memref<64x128xf32, #tpu.memory_space<vmem>>
      %dma_start3A_658 = arith.constant 0 : i32
      %dma_start3A_659 = tpu.memref_slice %arg3[%dma_start3A_658, %multiple_of3A_646] : memref<64x1000000xf32, #tpu.memory_space<hbm>> -> memref<64x128xf32, #tpu.memory_space<hbm>>
      tpu.enqueue_dma source(%dma_start3A_659 : memref<64x128xf32, #tpu.memory_space<hbm>>) target(%dma_start3A_657 : memref<64x128xf32, #tpu.memory_space<vmem>>) target_semaphore(%arg8 : memref<!tpu.dma_semaphore, #tpu.memory_space<semaphore_mem>>)
      %slice3A_660 = vector.extract_strided_slice %get3A_405 {offsets = [6], sizes = [1], strides = [1]} : vector<16xi32> to vector<1xi32>
      %squeeze3A_661 = vector.extract %slice3A_660[0] : i32 from vector<1xi32>
      %jit3A_662 = arith.constant 128 : i32
      %div3A_663 = arith.divsi %squeeze3A_661, %jit3A_662 : i32
      %sign3A_664 = arith.constant 0 : i32
      %sign3A_665 = arith.cmpi sgt, %squeeze3A_661, %sign3A_664 : i32
      %sign3A_666 = arith.extui %sign3A_665 : i1 to i32
      %sign3A_667 = arith.constant 0 : i32
      %sign3A_668 = arith.cmpi slt, %squeeze3A_661, %sign3A_667 : i32
      %sign3A_669 = arith.extui %sign3A_668 : i1 to i32
      %sign3A_670 = arith.subi %sign3A_666, %sign3A_669 : i32
      %sign3A_671 = arith.constant 0 : i32
      %sign3A_672 = arith.cmpi sgt, %jit3A_662, %sign3A_671 : i32
      %sign3A_673 = arith.extui %sign3A_672 : i1 to i32
      %sign3A_674 = arith.constant 0 : i32
      %sign3A_675 = arith.cmpi slt, %jit3A_662, %sign3A_674 : i32
      %sign3A_676 = arith.extui %sign3A_675 : i1 to i32
      %sign3A_677 = arith.subi %sign3A_673, %sign3A_676 : i32
      %ne3A_678 = arith.cmpi ne, %sign3A_670, %sign3A_677 : i32
      %rem3A_679 = arith.remsi %squeeze3A_661, %jit3A_662 : i32
      %ne3A_680 = arith.constant 0 : i32
      %ne3A_681 = arith.cmpi ne, %rem3A_679, %ne3A_680 : i32
      %and3A_682 = arith.andi %ne3A_678, %ne3A_681 : i1
      %sub3A_683 = arith.constant 1 : i32
      %sub3A_684 = arith.subi %div3A_663, %sub3A_683 : i32
      %select_n3A_685 = arith.select %and3A_682, %sub3A_684, %div3A_663 : i32
      %mul3A_686 = arith.constant 128 : i32
      %mul3A_687 = arith.muli %select_n3A_685, %mul3A_686 : i32
      %multiple_of3A_688 = tpu.assume_multiple %mul3A_687, 128 : i32
      %dma_start3A_689 = arith.constant 6 : i32
      %dma_start3A_690 = arith.constant 0 : i32
      %dma_start3A_691 = arith.constant 0 : i32
      %dma_start3A_692 = tpu.memref_slice %arg6[%dma_start3A_689, %dma_start3A_690, %dma_start3A_691] : memref<8x64x128xf32, #tpu.memory_space<vmem>> -> memref<1x64x128xf32, #tpu.memory_space<vmem>>
      %dma_start3A_693 = tpu.memref_squeeze %dma_start3A_692 : memref<1x64x128xf32, #tpu.memory_space<vmem>> -> memref<64x128xf32, #tpu.memory_space<vmem>>
      %dma_start3A_694 = arith.constant 0 : i32
      %dma_start3A_695 = tpu.memref_slice %arg3[%dma_start3A_694, %multiple_of3A_688] : memref<64x1000000xf32, #tpu.memory_space<hbm>> -> memref<64x128xf32, #tpu.memory_space<hbm>>
      %dma_start3A_696 = arith.constant 0 : i32
      %dma_start3A_697 = arith.constant 0 : i32
      %dma_start3A_698 = tpu.memref_slice %arg6[%dma_start3A_689, %dma_start3A_696, %dma_start3A_697] : memref<8x64x128xf32, #tpu.memory_space<vmem>> -> memref<1x64x128xf32, #tpu.memory_space<vmem>>
      %dma_start3A_699 = tpu.memref_squeeze %dma_start3A_698 : memref<1x64x128xf32, #tpu.memory_space<vmem>> -> memref<64x128xf32, #tpu.memory_space<vmem>>
      %dma_start3A_700 = arith.constant 0 : i32
      %dma_start3A_701 = tpu.memref_slice %arg3[%dma_start3A_700, %multiple_of3A_688] : memref<64x1000000xf32, #tpu.memory_space<hbm>> -> memref<64x128xf32, #tpu.memory_space<hbm>>
      tpu.enqueue_dma source(%dma_start3A_701 : memref<64x128xf32, #tpu.memory_space<hbm>>) target(%dma_start3A_699 : memref<64x128xf32, #tpu.memory_space<vmem>>) target_semaphore(%arg8 : memref<!tpu.dma_semaphore, #tpu.memory_space<semaphore_mem>>)
      %slice3A_702 = vector.extract_strided_slice %get3A_405 {offsets = [7], sizes = [1], strides = [1]} : vector<16xi32> to vector<1xi32>
      %squeeze3A_703 = vector.extract %slice3A_702[0] : i32 from vector<1xi32>
      %jit3A_704 = arith.constant 128 : i32
      %div3A_705 = arith.divsi %squeeze3A_703, %jit3A_704 : i32
      %sign3A_706 = arith.constant 0 : i32
      %sign3A_707 = arith.cmpi sgt, %squeeze3A_703, %sign3A_706 : i32
      %sign3A_708 = arith.extui %sign3A_707 : i1 to i32
      %sign3A_709 = arith.constant 0 : i32
      %sign3A_710 = arith.cmpi slt, %squeeze3A_703, %sign3A_709 : i32
      %sign3A_711 = arith.extui %sign3A_710 : i1 to i32
      %sign3A_712 = arith.subi %sign3A_708, %sign3A_711 : i32
      %sign3A_713 = arith.constant 0 : i32
      %sign3A_714 = arith.cmpi sgt, %jit3A_704, %sign3A_713 : i32
      %sign3A_715 = arith.extui %sign3A_714 : i1 to i32
      %sign3A_716 = arith.constant 0 : i32
      %sign3A_717 = arith.cmpi slt, %jit3A_704, %sign3A_716 : i32
      %sign3A_718 = arith.extui %sign3A_717 : i1 to i32
      %sign3A_719 = arith.subi %sign3A_715, %sign3A_718 : i32
      %ne3A_720 = arith.cmpi ne, %sign3A_712, %sign3A_719 : i32
      %rem3A_721 = arith.remsi %squeeze3A_703, %jit3A_704 : i32
      %ne3A_722 = arith.constant 0 : i32
      %ne3A_723 = arith.cmpi ne, %rem3A_721, %ne3A_722 : i32
      %and3A_724 = arith.andi %ne3A_720, %ne3A_723 : i1
      %sub3A_725 = arith.constant 1 : i32
      %sub3A_726 = arith.subi %div3A_705, %sub3A_725 : i32
      %select_n3A_727 = arith.select %and3A_724, %sub3A_726, %div3A_705 : i32
      %mul3A_728 = arith.constant 128 : i32
      %mul3A_729 = arith.muli %select_n3A_727, %mul3A_728 : i32
      %multiple_of3A_730 = tpu.assume_multiple %mul3A_729, 128 : i32
      %dma_start3A_731 = arith.constant 7 : i32
      %dma_start3A_732 = arith.constant 0 : i32
      %dma_start3A_733 = arith.constant 0 : i32
      %dma_start3A_734 = tpu.memref_slice %arg6[%dma_start3A_731, %dma_start3A_732, %dma_start3A_733] : memref<8x64x128xf32, #tpu.memory_space<vmem>> -> memref<1x64x128xf32, #tpu.memory_space<vmem>>
      %dma_start3A_735 = tpu.memref_squeeze %dma_start3A_734 : memref<1x64x128xf32, #tpu.memory_space<vmem>> -> memref<64x128xf32, #tpu.memory_space<vmem>>
      %dma_start3A_736 = arith.constant 0 : i32
      %dma_start3A_737 = tpu.memref_slice %arg3[%dma_start3A_736, %multiple_of3A_730] : memref<64x1000000xf32, #tpu.memory_space<hbm>> -> memref<64x128xf32, #tpu.memory_space<hbm>>
      %dma_start3A_738 = arith.constant 0 : i32
      %dma_start3A_739 = arith.constant 0 : i32
      %dma_start3A_740 = tpu.memref_slice %arg6[%dma_start3A_731, %dma_start3A_738, %dma_start3A_739] : memref<8x64x128xf32, #tpu.memory_space<vmem>> -> memref<1x64x128xf32, #tpu.memory_space<vmem>>
      %dma_start3A_741 = tpu.memref_squeeze %dma_start3A_740 : memref<1x64x128xf32, #tpu.memory_space<vmem>> -> memref<64x128xf32, #tpu.memory_space<vmem>>
      %dma_start3A_742 = arith.constant 0 : i32
      %dma_start3A_743 = tpu.memref_slice %arg3[%dma_start3A_742, %multiple_of3A_730] : memref<64x1000000xf32, #tpu.memory_space<hbm>> -> memref<64x128xf32, #tpu.memory_space<hbm>>
      tpu.enqueue_dma source(%dma_start3A_743 : memref<64x128xf32, #tpu.memory_space<hbm>>) target(%dma_start3A_741 : memref<64x128xf32, #tpu.memory_space<vmem>>) target_semaphore(%arg8 : memref<!tpu.dma_semaphore, #tpu.memory_space<semaphore_mem>>)
      scf.yield %get3A_405 : vector<16xi32>
    }
    %scan3A_23 = arith.constant 64 : i32
    %dma_wait3A = arith.constant 0 : i32
    %dma_wait3A_24 = arith.constant 0 : i32
    %dma_wait3A_25 = arith.constant 0 : i32
    %dma_wait3A_26 = tpu.memref_slice %arg6[%dma_wait3A, %dma_wait3A_24, %dma_wait3A_25] : memref<8x64x128xf32, #tpu.memory_space<vmem>> -> memref<4x64x128xf32, #tpu.memory_space<vmem>>
    %dma_wait3A_27 = arith.constant 0 : i32
    %dma_wait3A_28 = arith.constant 0 : i32
    %dma_wait3A_29 = tpu.memref_slice %arg3[%dma_wait3A_27, %dma_wait3A_28] : memref<64x1000000xf32, #tpu.memory_space<hbm>> -> memref<64x512xf32, #tpu.memory_space<hbm>>
    %dma_wait3A_30 = arith.constant 0 : i32
    %dma_wait3A_31 = arith.constant 0 : i32
    %dma_wait3A_32 = arith.constant 0 : i32
    %dma_wait3A_33 = tpu.memref_slice %arg6[%dma_wait3A_30, %dma_wait3A_31, %dma_wait3A_32] : memref<8x64x128xf32, #tpu.memory_space<vmem>> -> memref<4x64x128xf32, #tpu.memory_space<vmem>>
    %dma_wait3A_34 = arith.constant 0 : i32
    %dma_wait3A_35 = arith.constant 0 : i32
    %dma_wait3A_36 = tpu.memref_slice %arg3[%dma_wait3A_34, %dma_wait3A_35] : memref<64x1000000xf32, #tpu.memory_space<hbm>> -> memref<64x512xf32, #tpu.memory_space<hbm>>
    tpu.wait_dma2 semaphore(%arg8 : memref<!tpu.dma_semaphore, #tpu.memory_space<semaphore_mem>>) src(%dma_wait3A_36 : memref<64x512xf32, #tpu.memory_space<hbm>>) dst(%dma_wait3A_33 : memref<4x64x128xf32, #tpu.memory_space<vmem>>)
    %slice3A = vector.extract_strided_slice %scan3A_22 {offsets = [0], sizes = [1], strides = [1]} : vector<16xi32> to vector<1xi32>
    %squeeze3A = vector.extract %slice3A[0] : i32 from vector<1xi32>
    %jit3A = arith.constant 128 : i32
    %eq3A = arith.constant 0 : i32
    %eq3A_37 = arith.cmpi eq, %jit3A, %eq3A : i32
    %jit3A_38 = arith.constant 1 : i32
    %select_n3A = arith.select %eq3A_37, %jit3A_38, %jit3A : i32
    %rem3A = arith.remsi %squeeze3A, %select_n3A : i32
    %ne3A = arith.constant 0 : i32
    %ne3A_39 = arith.cmpi ne, %rem3A, %ne3A : i32
    %lt3A = arith.constant 0 : i32
    %lt3A_40 = arith.cmpi slt, %rem3A, %lt3A : i32
    %lt3A_41 = arith.constant 0 : i32
    %lt3A_42 = arith.cmpi slt, %select_n3A, %lt3A_41 : i32
    %ne3A_43 = arith.xori %lt3A_40, %lt3A_42 : i1
    %and3A = arith.andi %ne3A_43, %ne3A_39 : i1
    %add3A_44 = arith.addi %rem3A, %select_n3A : i32
    %select_n3A_45 = arith.select %and3A, %add3A_44, %rem3A : i32
    %broadcast_in_dim3A_46 = vector.broadcast %select_n3A_45 : i32 to vector<16xi32>
    %broadcast_in_dim3A_47 = arith.constant 504 : i32
    %broadcast_in_dim3A_48 = vector.broadcast %broadcast_in_dim3A_47 : i32 to vector<16xi32>
    %gather3A = arith.constant 0 : i32
    %gather3A_49 = arith.constant 0 : i32
    %gather3A_50 = arith.constant 0 : i32
    %gather3A_51 = tpu.memref_slice %arg6[%gather3A, %gather3A_49, %gather3A_50] : memref<8x64x128xf32, #tpu.memory_space<vmem>> -> memref<1x64x128xf32, #tpu.memory_space<vmem>>
    %gather3A_52 = tpu.memref_squeeze %gather3A_51 : memref<1x64x128xf32, #tpu.memory_space<vmem>> -> memref<64x128xf32, #tpu.memory_space<vmem>>
    %gather3A_53 = tpu.vector_load_idx %gather3A_52[%add3A_5, %broadcast_in_dim3A_46] : memref<64x128xf32, #tpu.memory_space<vmem>>[vector<16xi32>, vector<16xi32>], vector<16xf32>,
    tpu.vector_store_idx %arg7[%add3A_5, %broadcast_in_dim3A_48], %gather3A_53 : memref<64x512xf32, #tpu.memory_space<vmem>>[vector<16xi32>, vector<16xi32>], vector<16xf32>,
    %gather3A_54 = arith.constant 0 : i32
    %gather3A_55 = arith.constant 0 : i32
    %gather3A_56 = arith.constant 0 : i32
    %gather3A_57 = tpu.memref_slice %arg6[%gather3A_54, %gather3A_55, %gather3A_56] : memref<8x64x128xf32, #tpu.memory_space<vmem>> -> memref<1x64x128xf32, #tpu.memory_space<vmem>>
    %gather3A_58 = tpu.memref_squeeze %gather3A_57 : memref<1x64x128xf32, #tpu.memory_space<vmem>> -> memref<64x128xf32, #tpu.memory_space<vmem>>
    %gather3A_59 = tpu.vector_load_idx %gather3A_58[%add3A_9, %broadcast_in_dim3A_46] : memref<64x128xf32, #tpu.memory_space<vmem>>[vector<16xi32>, vector<16xi32>], vector<16xf32>,
    tpu.vector_store_idx %arg7[%add3A_9, %broadcast_in_dim3A_48], %gather3A_59 : memref<64x512xf32, #tpu.memory_space<vmem>>[vector<16xi32>, vector<16xi32>], vector<16xf32>,
    %gather3A_60 = arith.constant 0 : i32
    %gather3A_61 = arith.constant 0 : i32
    %gather3A_62 = arith.constant 0 : i32
    %gather3A_63 = tpu.memref_slice %arg6[%gather3A_60, %gather3A_61, %gather3A_62] : memref<8x64x128xf32, #tpu.memory_space<vmem>> -> memref<1x64x128xf32, #tpu.memory_space<vmem>>
    %gather3A_64 = tpu.memref_squeeze %gather3A_63 : memref<1x64x128xf32, #tpu.memory_space<vmem>> -> memref<64x128xf32, #tpu.memory_space<vmem>>
    %gather3A_65 = tpu.vector_load_idx %gather3A_64[%add3A_13, %broadcast_in_dim3A_46] : memref<64x128xf32, #tpu.memory_space<vmem>>[vector<16xi32>, vector<16xi32>], vector<16xf32>,
    tpu.vector_store_idx %arg7[%add3A_13, %broadcast_in_dim3A_48], %gather3A_65 : memref<64x512xf32, #tpu.memory_space<vmem>>[vector<16xi32>, vector<16xi32>], vector<16xf32>,
    %gather3A_66 = arith.constant 0 : i32
    %gather3A_67 = arith.constant 0 : i32
    %gather3A_68 = arith.constant 0 : i32
    %gather3A_69 = tpu.memref_slice %arg6[%gather3A_66, %gather3A_67, %gather3A_68] : memref<8x64x128xf32, #tpu.memory_space<vmem>> -> memref<1x64x128xf32, #tpu.memory_space<vmem>>
    %gather3A_70 = tpu.memref_squeeze %gather3A_69 : memref<1x64x128xf32, #tpu.memory_space<vmem>> -> memref<64x128xf32, #tpu.memory_space<vmem>>
    %gather3A_71 = tpu.vector_load_idx %gather3A_70[%add3A_17, %broadcast_in_dim3A_46] : memref<64x128xf32, #tpu.memory_space<vmem>>[vector<16xi32>, vector<16xi32>], vector<16xf32>,
    tpu.vector_store_idx %arg7[%add3A_17, %broadcast_in_dim3A_48], %gather3A_71 : memref<64x512xf32, #tpu.memory_space<vmem>>[vector<16xi32>, vector<16xi32>], vector<16xf32>,
    %slice3A_72 = vector.extract_strided_slice %scan3A_22 {offsets = [1], sizes = [1], strides = [1]} : vector<16xi32> to vector<1xi32>
    %squeeze3A_73 = vector.extract %slice3A_72[0] : i32 from vector<1xi32>
    %jit3A_74 = arith.constant 128 : i32
    %eq3A_75 = arith.constant 0 : i32
    %eq3A_76 = arith.cmpi eq, %jit3A_74, %eq3A_75 : i32
    %jit3A_77 = arith.constant 1 : i32
    %select_n3A_78 = arith.select %eq3A_76, %jit3A_77, %jit3A_74 : i32
    %rem3A_79 = arith.remsi %squeeze3A_73, %select_n3A_78 : i32
    %ne3A_80 = arith.constant 0 : i32
    %ne3A_81 = arith.cmpi ne, %rem3A_79, %ne3A_80 : i32
    %lt3A_82 = arith.constant 0 : i32
    %lt3A_83 = arith.cmpi slt, %rem3A_79, %lt3A_82 : i32
    %lt3A_84 = arith.constant 0 : i32
    %lt3A_85 = arith.cmpi slt, %select_n3A_78, %lt3A_84 : i32
    %ne3A_86 = arith.xori %lt3A_83, %lt3A_85 : i1
    %and3A_87 = arith.andi %ne3A_86, %ne3A_81 : i1
    %add3A_88 = arith.addi %rem3A_79, %select_n3A_78 : i32
    %select_n3A_89 = arith.select %and3A_87, %add3A_88, %rem3A_79 : i32
    %broadcast_in_dim3A_90 = vector.broadcast %select_n3A_89 : i32 to vector<16xi32>
    %broadcast_in_dim3A_91 = arith.constant 505 : i32
    %broadcast_in_dim3A_92 = vector.broadcast %broadcast_in_dim3A_91 : i32 to vector<16xi32>
    %gather3A_93 = arith.constant 1 : i32
    %gather3A_94 = arith.constant 0 : i32
    %gather3A_95 = arith.constant 0 : i32
    %gather3A_96 = tpu.memref_slice %arg6[%gather3A_93, %gather3A_94, %gather3A_95] : memref<8x64x128xf32, #tpu.memory_space<vmem>> -> memref<1x64x128xf32, #tpu.memory_space<vmem>>
    %gather3A_97 = tpu.memref_squeeze %gather3A_96 : memref<1x64x128xf32, #tpu.memory_space<vmem>> -> memref<64x128xf32, #tpu.memory_space<vmem>>
    %gather3A_98 = tpu.vector_load_idx %gather3A_97[%add3A_5, %broadcast_in_dim3A_90] : memref<64x128xf32, #tpu.memory_space<vmem>>[vector<16xi32>, vector<16xi32>], vector<16xf32>,
    tpu.vector_store_idx %arg7[%add3A_5, %broadcast_in_dim3A_92], %gather3A_98 : memref<64x512xf32, #tpu.memory_space<vmem>>[vector<16xi32>, vector<16xi32>], vector<16xf32>,
    %gather3A_99 = arith.constant 1 : i32
    %gather3A_100 = arith.constant 0 : i32
    %gather3A_101 = arith.constant 0 : i32
    %gather3A_102 = tpu.memref_slice %arg6[%gather3A_99, %gather3A_100, %gather3A_101] : memref<8x64x128xf32, #tpu.memory_space<vmem>> -> memref<1x64x128xf32, #tpu.memory_space<vmem>>
    %gather3A_103 = tpu.memref_squeeze %gather3A_102 : memref<1x64x128xf32, #tpu.memory_space<vmem>> -> memref<64x128xf32, #tpu.memory_space<vmem>>
    %gather3A_104 = tpu.vector_load_idx %gather3A_103[%add3A_9, %broadcast_in_dim3A_90] : memref<64x128xf32, #tpu.memory_space<vmem>>[vector<16xi32>, vector<16xi32>], vector<16xf32>,
    tpu.vector_store_idx %arg7[%add3A_9, %broadcast_in_dim3A_92], %gather3A_104 : memref<64x512xf32, #tpu.memory_space<vmem>>[vector<16xi32>, vector<16xi32>], vector<16xf32>,
    %gather3A_105 = arith.constant 1 : i32
    %gather3A_106 = arith.constant 0 : i32
    %gather3A_107 = arith.constant 0 : i32
    %gather3A_108 = tpu.memref_slice %arg6[%gather3A_105, %gather3A_106, %gather3A_107] : memref<8x64x128xf32, #tpu.memory_space<vmem>> -> memref<1x64x128xf32, #tpu.memory_space<vmem>>
    %gather3A_109 = tpu.memref_squeeze %gather3A_108 : memref<1x64x128xf32, #tpu.memory_space<vmem>> -> memref<64x128xf32, #tpu.memory_space<vmem>>
    %gather3A_110 = tpu.vector_load_idx %gather3A_109[%add3A_13, %broadcast_in_dim3A_90] : memref<64x128xf32, #tpu.memory_space<vmem>>[vector<16xi32>, vector<16xi32>], vector<16xf32>,
    tpu.vector_store_idx %arg7[%add3A_13, %broadcast_in_dim3A_92], %gather3A_110 : memref<64x512xf32, #tpu.memory_space<vmem>>[vector<16xi32>, vector<16xi32>], vector<16xf32>,
    %gather3A_111 = arith.constant 1 : i32
    %gather3A_112 = arith.constant 0 : i32
    %gather3A_113 = arith.constant 0 : i32
    %gather3A_114 = tpu.memref_slice %arg6[%gather3A_111, %gather3A_112, %gather3A_113] : memref<8x64x128xf32, #tpu.memory_space<vmem>> -> memref<1x64x128xf32, #tpu.memory_space<vmem>>
    %gather3A_115 = tpu.memref_squeeze %gather3A_114 : memref<1x64x128xf32, #tpu.memory_space<vmem>> -> memref<64x128xf32, #tpu.memory_space<vmem>>
    %gather3A_116 = tpu.vector_load_idx %gather3A_115[%add3A_17, %broadcast_in_dim3A_90] : memref<64x128xf32, #tpu.memory_space<vmem>>[vector<16xi32>, vector<16xi32>], vector<16xf32>,
    tpu.vector_store_idx %arg7[%add3A_17, %broadcast_in_dim3A_92], %gather3A_116 : memref<64x512xf32, #tpu.memory_space<vmem>>[vector<16xi32>, vector<16xi32>], vector<16xf32>,
    %slice3A_117 = vector.extract_strided_slice %scan3A_22 {offsets = [2], sizes = [1], strides = [1]} : vector<16xi32> to vector<1xi32>
    %squeeze3A_118 = vector.extract %slice3A_117[0] : i32 from vector<1xi32>
    %jit3A_119 = arith.constant 128 : i32
    %eq3A_120 = arith.constant 0 : i32
    %eq3A_121 = arith.cmpi eq, %jit3A_119, %eq3A_120 : i32
    %jit3A_122 = arith.constant 1 : i32
    %select_n3A_123 = arith.select %eq3A_121, %jit3A_122, %jit3A_119 : i32
    %rem3A_124 = arith.remsi %squeeze3A_118, %select_n3A_123 : i32
    %ne3A_125 = arith.constant 0 : i32
    %ne3A_126 = arith.cmpi ne, %rem3A_124, %ne3A_125 : i32
    %lt3A_127 = arith.constant 0 : i32
    %lt3A_128 = arith.cmpi slt, %rem3A_124, %lt3A_127 : i32
    %lt3A_129 = arith.constant 0 : i32
    %lt3A_130 = arith.cmpi slt, %select_n3A_123, %lt3A_129 : i32
    %ne3A_131 = arith.xori %lt3A_128, %lt3A_130 : i1
    %and3A_132 = arith.andi %ne3A_131, %ne3A_126 : i1
    %add3A_133 = arith.addi %rem3A_124, %select_n3A_123 : i32
    %select_n3A_134 = arith.select %and3A_132, %add3A_133, %rem3A_124 : i32
    %broadcast_in_dim3A_135 = vector.broadcast %select_n3A_134 : i32 to vector<16xi32>
    %broadcast_in_dim3A_136 = arith.constant 506 : i32
    %broadcast_in_dim3A_137 = vector.broadcast %broadcast_in_dim3A_136 : i32 to vector<16xi32>
    %gather3A_138 = arith.constant 2 : i32
    %gather3A_139 = arith.constant 0 : i32
    %gather3A_140 = arith.constant 0 : i32
    %gather3A_141 = tpu.memref_slice %arg6[%gather3A_138, %gather3A_139, %gather3A_140] : memref<8x64x128xf32, #tpu.memory_space<vmem>> -> memref<1x64x128xf32, #tpu.memory_space<vmem>>
    %gather3A_142 = tpu.memref_squeeze %gather3A_141 : memref<1x64x128xf32, #tpu.memory_space<vmem>> -> memref<64x128xf32, #tpu.memory_space<vmem>>
    %gather3A_143 = tpu.vector_load_idx %gather3A_142[%add3A_5, %broadcast_in_dim3A_135] : memref<64x128xf32, #tpu.memory_space<vmem>>[vector<16xi32>, vector<16xi32>], vector<16xf32>,
    tpu.vector_store_idx %arg7[%add3A_5, %broadcast_in_dim3A_137], %gather3A_143 : memref<64x512xf32, #tpu.memory_space<vmem>>[vector<16xi32>, vector<16xi32>], vector<16xf32>,
    %gather3A_144 = arith.constant 2 : i32
    %gather3A_145 = arith.constant 0 : i32
    %gather3A_146 = arith.constant 0 : i32
    %gather3A_147 = tpu.memref_slice %arg6[%gather3A_144, %gather3A_145, %gather3A_146] : memref<8x64x128xf32, #tpu.memory_space<vmem>> -> memref<1x64x128xf32, #tpu.memory_space<vmem>>
    %gather3A_148 = tpu.memref_squeeze %gather3A_147 : memref<1x64x128xf32, #tpu.memory_space<vmem>> -> memref<64x128xf32, #tpu.memory_space<vmem>>
    %gather3A_149 = tpu.vector_load_idx %gather3A_148[%add3A_9, %broadcast_in_dim3A_135] : memref<64x128xf32, #tpu.memory_space<vmem>>[vector<16xi32>, vector<16xi32>], vector<16xf32>,
    tpu.vector_store_idx %arg7[%add3A_9, %broadcast_in_dim3A_137], %gather3A_149 : memref<64x512xf32, #tpu.memory_space<vmem>>[vector<16xi32>, vector<16xi32>], vector<16xf32>,
    %gather3A_150 = arith.constant 2 : i32
    %gather3A_151 = arith.constant 0 : i32
    %gather3A_152 = arith.constant 0 : i32
    %gather3A_153 = tpu.memref_slice %arg6[%gather3A_150, %gather3A_151, %gather3A_152] : memref<8x64x128xf32, #tpu.memory_space<vmem>> -> memref<1x64x128xf32, #tpu.memory_space<vmem>>
    %gather3A_154 = tpu.memref_squeeze %gather3A_153 : memref<1x64x128xf32, #tpu.memory_space<vmem>> -> memref<64x128xf32, #tpu.memory_space<vmem>>
    %gather3A_155 = tpu.vector_load_idx %gather3A_154[%add3A_13, %broadcast_in_dim3A_135] : memref<64x128xf32, #tpu.memory_space<vmem>>[vector<16xi32>, vector<16xi32>], vector<16xf32>,
    tpu.vector_store_idx %arg7[%add3A_13, %broadcast_in_dim3A_137], %gather3A_155 : memref<64x512xf32, #tpu.memory_space<vmem>>[vector<16xi32>, vector<16xi32>], vector<16xf32>,
    %gather3A_156 = arith.constant 2 : i32
    %gather3A_157 = arith.constant 0 : i32
    %gather3A_158 = arith.constant 0 : i32
    %gather3A_159 = tpu.memref_slice %arg6[%gather3A_156, %gather3A_157, %gather3A_158] : memref<8x64x128xf32, #tpu.memory_space<vmem>> -> memref<1x64x128xf32, #tpu.memory_space<vmem>>
    %gather3A_160 = tpu.memref_squeeze %gather3A_159 : memref<1x64x128xf32, #tpu.memory_space<vmem>> -> memref<64x128xf32, #tpu.memory_space<vmem>>
    %gather3A_161 = tpu.vector_load_idx %gather3A_160[%add3A_17, %broadcast_in_dim3A_135] : memref<64x128xf32, #tpu.memory_space<vmem>>[vector<16xi32>, vector<16xi32>], vector<16xf32>,
    tpu.vector_store_idx %arg7[%add3A_17, %broadcast_in_dim3A_137], %gather3A_161 : memref<64x512xf32, #tpu.memory_space<vmem>>[vector<16xi32>, vector<16xi32>], vector<16xf32>,
    %slice3A_162 = vector.extract_strided_slice %scan3A_22 {offsets = [3], sizes = [1], strides = [1]} : vector<16xi32> to vector<1xi32>
    %squeeze3A_163 = vector.extract %slice3A_162[0] : i32 from vector<1xi32>
    %jit3A_164 = arith.constant 128 : i32
    %eq3A_165 = arith.constant 0 : i32
    %eq3A_166 = arith.cmpi eq, %jit3A_164, %eq3A_165 : i32
    %jit3A_167 = arith.constant 1 : i32
    %select_n3A_168 = arith.select %eq3A_166, %jit3A_167, %jit3A_164 : i32
    %rem3A_169 = arith.remsi %squeeze3A_163, %select_n3A_168 : i32
    %ne3A_170 = arith.constant 0 : i32
    %ne3A_171 = arith.cmpi ne, %rem3A_169, %ne3A_170 : i32
    %lt3A_172 = arith.constant 0 : i32
    %lt3A_173 = arith.cmpi slt, %rem3A_169, %lt3A_172 : i32
    %lt3A_174 = arith.constant 0 : i32
    %lt3A_175 = arith.cmpi slt, %select_n3A_168, %lt3A_174 : i32
    %ne3A_176 = arith.xori %lt3A_173, %lt3A_175 : i1
    %and3A_177 = arith.andi %ne3A_176, %ne3A_171 : i1
    %add3A_178 = arith.addi %rem3A_169, %select_n3A_168 : i32
    %select_n3A_179 = arith.select %and3A_177, %add3A_178, %rem3A_169 : i32
    %broadcast_in_dim3A_180 = vector.broadcast %select_n3A_179 : i32 to vector<16xi32>
    %broadcast_in_dim3A_181 = arith.constant 507 : i32
    %broadcast_in_dim3A_182 = vector.broadcast %broadcast_in_dim3A_181 : i32 to vector<16xi32>
    %gather3A_183 = arith.constant 3 : i32
    %gather3A_184 = arith.constant 0 : i32
    %gather3A_185 = arith.constant 0 : i32
    %gather3A_186 = tpu.memref_slice %arg6[%gather3A_183, %gather3A_184, %gather3A_185] : memref<8x64x128xf32, #tpu.memory_space<vmem>> -> memref<1x64x128xf32, #tpu.memory_space<vmem>>
    %gather3A_187 = tpu.memref_squeeze %gather3A_186 : memref<1x64x128xf32, #tpu.memory_space<vmem>> -> memref<64x128xf32, #tpu.memory_space<vmem>>
    %gather3A_188 = tpu.vector_load_idx %gather3A_187[%add3A_5, %broadcast_in_dim3A_180] : memref<64x128xf32, #tpu.memory_space<vmem>>[vector<16xi32>, vector<16xi32>], vector<16xf32>,
    tpu.vector_store_idx %arg7[%add3A_5, %broadcast_in_dim3A_182], %gather3A_188 : memref<64x512xf32, #tpu.memory_space<vmem>>[vector<16xi32>, vector<16xi32>], vector<16xf32>,
    %gather3A_189 = arith.constant 3 : i32
    %gather3A_190 = arith.constant 0 : i32
    %gather3A_191 = arith.constant 0 : i32
    %gather3A_192 = tpu.memref_slice %arg6[%gather3A_189, %gather3A_190, %gather3A_191] : memref<8x64x128xf32, #tpu.memory_space<vmem>> -> memref<1x64x128xf32, #tpu.memory_space<vmem>>
    %gather3A_193 = tpu.memref_squeeze %gather3A_192 : memref<1x64x128xf32, #tpu.memory_space<vmem>> -> memref<64x128xf32, #tpu.memory_space<vmem>>
    %gather3A_194 = tpu.vector_load_idx %gather3A_193[%add3A_9, %broadcast_in_dim3A_180] : memref<64x128xf32, #tpu.memory_space<vmem>>[vector<16xi32>, vector<16xi32>], vector<16xf32>,
    tpu.vector_store_idx %arg7[%add3A_9, %broadcast_in_dim3A_182], %gather3A_194 : memref<64x512xf32, #tpu.memory_space<vmem>>[vector<16xi32>, vector<16xi32>], vector<16xf32>,
    %gather3A_195 = arith.constant 3 : i32
    %gather3A_196 = arith.constant 0 : i32
    %gather3A_197 = arith.constant 0 : i32
    %gather3A_198 = tpu.memref_slice %arg6[%gather3A_195, %gather3A_196, %gather3A_197] : memref<8x64x128xf32, #tpu.memory_space<vmem>> -> memref<1x64x128xf32, #tpu.memory_space<vmem>>
    %gather3A_199 = tpu.memref_squeeze %gather3A_198 : memref<1x64x128xf32, #tpu.memory_space<vmem>> -> memref<64x128xf32, #tpu.memory_space<vmem>>
    %gather3A_200 = tpu.vector_load_idx %gather3A_199[%add3A_13, %broadcast_in_dim3A_180] : memref<64x128xf32, #tpu.memory_space<vmem>>[vector<16xi32>, vector<16xi32>], vector<16xf32>,
    tpu.vector_store_idx %arg7[%add3A_13, %broadcast_in_dim3A_182], %gather3A_200 : memref<64x512xf32, #tpu.memory_space<vmem>>[vector<16xi32>, vector<16xi32>], vector<16xf32>,
    %gather3A_201 = arith.constant 3 : i32
    %gather3A_202 = arith.constant 0 : i32
    %gather3A_203 = arith.constant 0 : i32
    %gather3A_204 = tpu.memref_slice %arg6[%gather3A_201, %gather3A_202, %gather3A_203] : memref<8x64x128xf32, #tpu.memory_space<vmem>> -> memref<1x64x128xf32, #tpu.memory_space<vmem>>
    %gather3A_205 = tpu.memref_squeeze %gather3A_204 : memref<1x64x128xf32, #tpu.memory_space<vmem>> -> memref<64x128xf32, #tpu.memory_space<vmem>>
    %gather3A_206 = tpu.vector_load_idx %gather3A_205[%add3A_17, %broadcast_in_dim3A_180] : memref<64x128xf32, #tpu.memory_space<vmem>>[vector<16xi32>, vector<16xi32>], vector<16xf32>,
    tpu.vector_store_idx %arg7[%add3A_17, %broadcast_in_dim3A_182], %gather3A_206 : memref<64x512xf32, #tpu.memory_space<vmem>>[vector<16xi32>, vector<16xi32>], vector<16xf32>,
    %dma_wait3A_207 = arith.constant 4 : i32
    %dma_wait3A_208 = arith.constant 0 : i32
    %dma_wait3A_209 = arith.constant 0 : i32
    %dma_wait3A_210 = tpu.memref_slice %arg6[%dma_wait3A_207, %dma_wait3A_208, %dma_wait3A_209] : memref<8x64x128xf32, #tpu.memory_space<vmem>> -> memref<4x64x128xf32, #tpu.memory_space<vmem>>
    %dma_wait3A_211 = arith.constant 0 : i32
    %dma_wait3A_212 = arith.constant 0 : i32
    %dma_wait3A_213 = tpu.memref_slice %arg3[%dma_wait3A_211, %dma_wait3A_212] : memref<64x1000000xf32, #tpu.memory_space<hbm>> -> memref<64x512xf32, #tpu.memory_space<hbm>>
    %dma_wait3A_214 = arith.constant 4 : i32
    %dma_wait3A_215 = arith.constant 0 : i32
    %dma_wait3A_216 = arith.constant 0 : i32
    %dma_wait3A_217 = tpu.memref_slice %arg6[%dma_wait3A_214, %dma_wait3A_215, %dma_wait3A_216] : memref<8x64x128xf32, #tpu.memory_space<vmem>> -> memref<4x64x128xf32, #tpu.memory_space<vmem>>
    %dma_wait3A_218 = arith.constant 0 : i32
    %dma_wait3A_219 = arith.constant 0 : i32
    %dma_wait3A_220 = tpu.memref_slice %arg3[%dma_wait3A_218, %dma_wait3A_219] : memref<64x1000000xf32, #tpu.memory_space<hbm>> -> memref<64x512xf32, #tpu.memory_space<hbm>>
    tpu.wait_dma2 semaphore(%arg8 : memref<!tpu.dma_semaphore, #tpu.memory_space<semaphore_mem>>) src(%dma_wait3A_220 : memref<64x512xf32, #tpu.memory_space<hbm>>) dst(%dma_wait3A_217 : memref<4x64x128xf32, #tpu.memory_space<vmem>>)
    %slice3A_221 = vector.extract_strided_slice %scan3A_22 {offsets = [4], sizes = [1], strides = [1]} : vector<16xi32> to vector<1xi32>
    %squeeze3A_222 = vector.extract %slice3A_221[0] : i32 from vector<1xi32>
    %jit3A_223 = arith.constant 128 : i32
    %eq3A_224 = arith.constant 0 : i32
    %eq3A_225 = arith.cmpi eq, %jit3A_223, %eq3A_224 : i32
    %jit3A_226 = arith.constant 1 : i32
    %select_n3A_227 = arith.select %eq3A_225, %jit3A_226, %jit3A_223 : i32
    %rem3A_228 = arith.remsi %squeeze3A_222, %select_n3A_227 : i32
    %ne3A_229 = arith.constant 0 : i32
    %ne3A_230 = arith.cmpi ne, %rem3A_228, %ne3A_229 : i32
    %lt3A_231 = arith.constant 0 : i32
    %lt3A_232 = arith.cmpi slt, %rem3A_228, %lt3A_231 : i32
    %lt3A_233 = arith.constant 0 : i32
    %lt3A_234 = arith.cmpi slt, %select_n3A_227, %lt3A_233 : i32
    %ne3A_235 = arith.xori %lt3A_232, %lt3A_234 : i1
    %and3A_236 = arith.andi %ne3A_235, %ne3A_230 : i1
    %add3A_237 = arith.addi %rem3A_228, %select_n3A_227 : i32
    %select_n3A_238 = arith.select %and3A_236, %add3A_237, %rem3A_228 : i32
    %broadcast_in_dim3A_239 = vector.broadcast %select_n3A_238 : i32 to vector<16xi32>
    %broadcast_in_dim3A_240 = arith.constant 508 : i32
    %broadcast_in_dim3A_241 = vector.broadcast %broadcast_in_dim3A_240 : i32 to vector<16xi32>
    %gather3A_242 = arith.constant 4 : i32
    %gather3A_243 = arith.constant 0 : i32
    %gather3A_244 = arith.constant 0 : i32
    %gather3A_245 = tpu.memref_slice %arg6[%gather3A_242, %gather3A_243, %gather3A_244] : memref<8x64x128xf32, #tpu.memory_space<vmem>> -> memref<1x64x128xf32, #tpu.memory_space<vmem>>
    %gather3A_246 = tpu.memref_squeeze %gather3A_245 : memref<1x64x128xf32, #tpu.memory_space<vmem>> -> memref<64x128xf32, #tpu.memory_space<vmem>>
    %gather3A_247 = tpu.vector_load_idx %gather3A_246[%add3A_5, %broadcast_in_dim3A_239] : memref<64x128xf32, #tpu.memory_space<vmem>>[vector<16xi32>, vector<16xi32>], vector<16xf32>,
    tpu.vector_store_idx %arg7[%add3A_5, %broadcast_in_dim3A_241], %gather3A_247 : memref<64x512xf32, #tpu.memory_space<vmem>>[vector<16xi32>, vector<16xi32>], vector<16xf32>,
    %gather3A_248 = arith.constant 4 : i32
    %gather3A_249 = arith.constant 0 : i32
    %gather3A_250 = arith.constant 0 : i32
    %gather3A_251 = tpu.memref_slice %arg6[%gather3A_248, %gather3A_249, %gather3A_250] : memref<8x64x128xf32, #tpu.memory_space<vmem>> -> memref<1x64x128xf32, #tpu.memory_space<vmem>>
    %gather3A_252 = tpu.memref_squeeze %gather3A_251 : memref<1x64x128xf32, #tpu.memory_space<vmem>> -> memref<64x128xf32, #tpu.memory_space<vmem>>
    %gather3A_253 = tpu.vector_load_idx %gather3A_252[%add3A_9, %broadcast_in_dim3A_239] : memref<64x128xf32, #tpu.memory_space<vmem>>[vector<16xi32>, vector<16xi32>], vector<16xf32>,
    tpu.vector_store_idx %arg7[%add3A_9, %broadcast_in_dim3A_241], %gather3A_253 : memref<64x512xf32, #tpu.memory_space<vmem>>[vector<16xi32>, vector<16xi32>], vector<16xf32>,
    %gather3A_254 = arith.constant 4 : i32
    %gather3A_255 = arith.constant 0 : i32
    %gather3A_256 = arith.constant 0 : i32
    %gather3A_257 = tpu.memref_slice %arg6[%gather3A_254, %gather3A_255, %gather3A_256] : memref<8x64x128xf32, #tpu.memory_space<vmem>> -> memref<1x64x128xf32, #tpu.memory_space<vmem>>
    %gather3A_258 = tpu.memref_squeeze %gather3A_257 : memref<1x64x128xf32, #tpu.memory_space<vmem>> -> memref<64x128xf32, #tpu.memory_space<vmem>>
    %gather3A_259 = tpu.vector_load_idx %gather3A_258[%add3A_13, %broadcast_in_dim3A_239] : memref<64x128xf32, #tpu.memory_space<vmem>>[vector<16xi32>, vector<16xi32>], vector<16xf32>,
    tpu.vector_store_idx %arg7[%add3A_13, %broadcast_in_dim3A_241], %gather3A_259 : memref<64x512xf32, #tpu.memory_space<vmem>>[vector<16xi32>, vector<16xi32>], vector<16xf32>,
    %gather3A_260 = arith.constant 4 : i32
    %gather3A_261 = arith.constant 0 : i32
    %gather3A_262 = arith.constant 0 : i32
    %gather3A_263 = tpu.memref_slice %arg6[%gather3A_260, %gather3A_261, %gather3A_262] : memref<8x64x128xf32, #tpu.memory_space<vmem>> -> memref<1x64x128xf32, #tpu.memory_space<vmem>>
    %gather3A_264 = tpu.memref_squeeze %gather3A_263 : memref<1x64x128xf32, #tpu.memory_space<vmem>> -> memref<64x128xf32, #tpu.memory_space<vmem>>
    %gather3A_265 = tpu.vector_load_idx %gather3A_264[%add3A_17, %broadcast_in_dim3A_239] : memref<64x128xf32, #tpu.memory_space<vmem>>[vector<16xi32>, vector<16xi32>], vector<16xf32>,
    tpu.vector_store_idx %arg7[%add3A_17, %broadcast_in_dim3A_241], %gather3A_265 : memref<64x512xf32, #tpu.memory_space<vmem>>[vector<16xi32>, vector<16xi32>], vector<16xf32>,
    %slice3A_266 = vector.extract_strided_slice %scan3A_22 {offsets = [5], sizes = [1], strides = [1]} : vector<16xi32> to vector<1xi32>
    %squeeze3A_267 = vector.extract %slice3A_266[0] : i32 from vector<1xi32>
    %jit3A_268 = arith.constant 128 : i32
    %eq3A_269 = arith.constant 0 : i32
    %eq3A_270 = arith.cmpi eq, %jit3A_268, %eq3A_269 : i32
    %jit3A_271 = arith.constant 1 : i32
    %select_n3A_272 = arith.select %eq3A_270, %jit3A_271, %jit3A_268 : i32
    %rem3A_273 = arith.remsi %squeeze3A_267, %select_n3A_272 : i32
    %ne3A_274 = arith.constant 0 : i32
    %ne3A_275 = arith.cmpi ne, %rem3A_273, %ne3A_274 : i32
    %lt3A_276 = arith.constant 0 : i32
    %lt3A_277 = arith.cmpi slt, %rem3A_273, %lt3A_276 : i32
    %lt3A_278 = arith.constant 0 : i32
    %lt3A_279 = arith.cmpi slt, %select_n3A_272, %lt3A_278 : i32
    %ne3A_280 = arith.xori %lt3A_277, %lt3A_279 : i1
    %and3A_281 = arith.andi %ne3A_280, %ne3A_275 : i1
    %add3A_282 = arith.addi %rem3A_273, %select_n3A_272 : i32
    %select_n3A_283 = arith.select %and3A_281, %add3A_282, %rem3A_273 : i32
    %broadcast_in_dim3A_284 = vector.broadcast %select_n3A_283 : i32 to vector<16xi32>
    %broadcast_in_dim3A_285 = arith.constant 509 : i32
    %broadcast_in_dim3A_286 = vector.broadcast %broadcast_in_dim3A_285 : i32 to vector<16xi32>
    %gather3A_287 = arith.constant 5 : i32
    %gather3A_288 = arith.constant 0 : i32
    %gather3A_289 = arith.constant 0 : i32
    %gather3A_290 = tpu.memref_slice %arg6[%gather3A_287, %gather3A_288, %gather3A_289] : memref<8x64x128xf32, #tpu.memory_space<vmem>> -> memref<1x64x128xf32, #tpu.memory_space<vmem>>
    %gather3A_291 = tpu.memref_squeeze %gather3A_290 : memref<1x64x128xf32, #tpu.memory_space<vmem>> -> memref<64x128xf32, #tpu.memory_space<vmem>>
    %gather3A_292 = tpu.vector_load_idx %gather3A_291[%add3A_5, %broadcast_in_dim3A_284] : memref<64x128xf32, #tpu.memory_space<vmem>>[vector<16xi32>, vector<16xi32>], vector<16xf32>,
    tpu.vector_store_idx %arg7[%add3A_5, %broadcast_in_dim3A_286], %gather3A_292 : memref<64x512xf32, #tpu.memory_space<vmem>>[vector<16xi32>, vector<16xi32>], vector<16xf32>,
    %gather3A_293 = arith.constant 5 : i32
    %gather3A_294 = arith.constant 0 : i32
    %gather3A_295 = arith.constant 0 : i32
    %gather3A_296 = tpu.memref_slice %arg6[%gather3A_293, %gather3A_294, %gather3A_295] : memref<8x64x128xf32, #tpu.memory_space<vmem>> -> memref<1x64x128xf32, #tpu.memory_space<vmem>>
    %gather3A_297 = tpu.memref_squeeze %gather3A_296 : memref<1x64x128xf32, #tpu.memory_space<vmem>> -> memref<64x128xf32, #tpu.memory_space<vmem>>
    %gather3A_298 = tpu.vector_load_idx %gather3A_297[%add3A_9, %broadcast_in_dim3A_284] : memref<64x128xf32, #tpu.memory_space<vmem>>[vector<16xi32>, vector<16xi32>], vector<16xf32>,
    tpu.vector_store_idx %arg7[%add3A_9, %broadcast_in_dim3A_286], %gather3A_298 : memref<64x512xf32, #tpu.memory_space<vmem>>[vector<16xi32>, vector<16xi32>], vector<16xf32>,
    %gather3A_299 = arith.constant 5 : i32
    %gather3A_300 = arith.constant 0 : i32
    %gather3A_301 = arith.constant 0 : i32
    %gather3A_302 = tpu.memref_slice %arg6[%gather3A_299, %gather3A_300, %gather3A_301] : memref<8x64x128xf32, #tpu.memory_space<vmem>> -> memref<1x64x128xf32, #tpu.memory_space<vmem>>
    %gather3A_303 = tpu.memref_squeeze %gather3A_302 : memref<1x64x128xf32, #tpu.memory_space<vmem>> -> memref<64x128xf32, #tpu.memory_space<vmem>>
    %gather3A_304 = tpu.vector_load_idx %gather3A_303[%add3A_13, %broadcast_in_dim3A_284] : memref<64x128xf32, #tpu.memory_space<vmem>>[vector<16xi32>, vector<16xi32>], vector<16xf32>,
    tpu.vector_store_idx %arg7[%add3A_13, %broadcast_in_dim3A_286], %gather3A_304 : memref<64x512xf32, #tpu.memory_space<vmem>>[vector<16xi32>, vector<16xi32>], vector<16xf32>,
    %gather3A_305 = arith.constant 5 : i32
    %gather3A_306 = arith.constant 0 : i32
    %gather3A_307 = arith.constant 0 : i32
    %gather3A_308 = tpu.memref_slice %arg6[%gather3A_305, %gather3A_306, %gather3A_307] : memref<8x64x128xf32, #tpu.memory_space<vmem>> -> memref<1x64x128xf32, #tpu.memory_space<vmem>>
    %gather3A_309 = tpu.memref_squeeze %gather3A_308 : memref<1x64x128xf32, #tpu.memory_space<vmem>> -> memref<64x128xf32, #tpu.memory_space<vmem>>
    %gather3A_310 = tpu.vector_load_idx %gather3A_309[%add3A_17, %broadcast_in_dim3A_284] : memref<64x128xf32, #tpu.memory_space<vmem>>[vector<16xi32>, vector<16xi32>], vector<16xf32>,
    tpu.vector_store_idx %arg7[%add3A_17, %broadcast_in_dim3A_286], %gather3A_310 : memref<64x512xf32, #tpu.memory_space<vmem>>[vector<16xi32>, vector<16xi32>], vector<16xf32>,
    %slice3A_311 = vector.extract_strided_slice %scan3A_22 {offsets = [6], sizes = [1], strides = [1]} : vector<16xi32> to vector<1xi32>
    %squeeze3A_312 = vector.extract %slice3A_311[0] : i32 from vector<1xi32>
    %jit3A_313 = arith.constant 128 : i32
    %eq3A_314 = arith.constant 0 : i32
    %eq3A_315 = arith.cmpi eq, %jit3A_313, %eq3A_314 : i32
    %jit3A_316 = arith.constant 1 : i32
    %select_n3A_317 = arith.select %eq3A_315, %jit3A_316, %jit3A_313 : i32
    %rem3A_318 = arith.remsi %squeeze3A_312, %select_n3A_317 : i32
    %ne3A_319 = arith.constant 0 : i32
    %ne3A_320 = arith.cmpi ne, %rem3A_318, %ne3A_319 : i32
    %lt3A_321 = arith.constant 0 : i32
    %lt3A_322 = arith.cmpi slt, %rem3A_318, %lt3A_321 : i32
    %lt3A_323 = arith.constant 0 : i32
    %lt3A_324 = arith.cmpi slt, %select_n3A_317, %lt3A_323 : i32
    %ne3A_325 = arith.xori %lt3A_322, %lt3A_324 : i1
    %and3A_326 = arith.andi %ne3A_325, %ne3A_320 : i1
    %add3A_327 = arith.addi %rem3A_318, %select_n3A_317 : i32
    %select_n3A_328 = arith.select %and3A_326, %add3A_327, %rem3A_318 : i32
    %broadcast_in_dim3A_329 = vector.broadcast %select_n3A_328 : i32 to vector<16xi32>
    %broadcast_in_dim3A_330 = arith.constant 510 : i32
    %broadcast_in_dim3A_331 = vector.broadcast %broadcast_in_dim3A_330 : i32 to vector<16xi32>
    %gather3A_332 = arith.constant 6 : i32
    %gather3A_333 = arith.constant 0 : i32
    %gather3A_334 = arith.constant 0 : i32
    %gather3A_335 = tpu.memref_slice %arg6[%gather3A_332, %gather3A_333, %gather3A_334] : memref<8x64x128xf32, #tpu.memory_space<vmem>> -> memref<1x64x128xf32, #tpu.memory_space<vmem>>
    %gather3A_336 = tpu.memref_squeeze %gather3A_335 : memref<1x64x128xf32, #tpu.memory_space<vmem>> -> memref<64x128xf32, #tpu.memory_space<vmem>>
    %gather3A_337 = tpu.vector_load_idx %gather3A_336[%add3A_5, %broadcast_in_dim3A_329] : memref<64x128xf32, #tpu.memory_space<vmem>>[vector<16xi32>, vector<16xi32>], vector<16xf32>,
    tpu.vector_store_idx %arg7[%add3A_5, %broadcast_in_dim3A_331], %gather3A_337 : memref<64x512xf32, #tpu.memory_space<vmem>>[vector<16xi32>, vector<16xi32>], vector<16xf32>,
    %gather3A_338 = arith.constant 6 : i32
    %gather3A_339 = arith.constant 0 : i32
    %gather3A_340 = arith.constant 0 : i32
    %gather3A_341 = tpu.memref_slice %arg6[%gather3A_338, %gather3A_339, %gather3A_340] : memref<8x64x128xf32, #tpu.memory_space<vmem>> -> memref<1x64x128xf32, #tpu.memory_space<vmem>>
    %gather3A_342 = tpu.memref_squeeze %gather3A_341 : memref<1x64x128xf32, #tpu.memory_space<vmem>> -> memref<64x128xf32, #tpu.memory_space<vmem>>
    %gather3A_343 = tpu.vector_load_idx %gather3A_342[%add3A_9, %broadcast_in_dim3A_329] : memref<64x128xf32, #tpu.memory_space<vmem>>[vector<16xi32>, vector<16xi32>], vector<16xf32>,
    tpu.vector_store_idx %arg7[%add3A_9, %broadcast_in_dim3A_331], %gather3A_343 : memref<64x512xf32, #tpu.memory_space<vmem>>[vector<16xi32>, vector<16xi32>], vector<16xf32>,
    %gather3A_344 = arith.constant 6 : i32
    %gather3A_345 = arith.constant 0 : i32
    %gather3A_346 = arith.constant 0 : i32
    %gather3A_347 = tpu.memref_slice %arg6[%gather3A_344, %gather3A_345, %gather3A_346] : memref<8x64x128xf32, #tpu.memory_space<vmem>> -> memref<1x64x128xf32, #tpu.memory_space<vmem>>
    %gather3A_348 = tpu.memref_squeeze %gather3A_347 : memref<1x64x128xf32, #tpu.memory_space<vmem>> -> memref<64x128xf32, #tpu.memory_space<vmem>>
    %gather3A_349 = tpu.vector_load_idx %gather3A_348[%add3A_13, %broadcast_in_dim3A_329] : memref<64x128xf32, #tpu.memory_space<vmem>>[vector<16xi32>, vector<16xi32>], vector<16xf32>,
    tpu.vector_store_idx %arg7[%add3A_13, %broadcast_in_dim3A_331], %gather3A_349 : memref<64x512xf32, #tpu.memory_space<vmem>>[vector<16xi32>, vector<16xi32>], vector<16xf32>,
    %gather3A_350 = arith.constant 6 : i32
    %gather3A_351 = arith.constant 0 : i32
    %gather3A_352 = arith.constant 0 : i32
    %gather3A_353 = tpu.memref_slice %arg6[%gather3A_350, %gather3A_351, %gather3A_352] : memref<8x64x128xf32, #tpu.memory_space<vmem>> -> memref<1x64x128xf32, #tpu.memory_space<vmem>>
    %gather3A_354 = tpu.memref_squeeze %gather3A_353 : memref<1x64x128xf32, #tpu.memory_space<vmem>> -> memref<64x128xf32, #tpu.memory_space<vmem>>
    %gather3A_355 = tpu.vector_load_idx %gather3A_354[%add3A_17, %broadcast_in_dim3A_329] : memref<64x128xf32, #tpu.memory_space<vmem>>[vector<16xi32>, vector<16xi32>], vector<16xf32>,
    tpu.vector_store_idx %arg7[%add3A_17, %broadcast_in_dim3A_331], %gather3A_355 : memref<64x512xf32, #tpu.memory_space<vmem>>[vector<16xi32>, vector<16xi32>], vector<16xf32>,
    %slice3A_356 = vector.extract_strided_slice %scan3A_22 {offsets = [7], sizes = [1], strides = [1]} : vector<16xi32> to vector<1xi32>
    %squeeze3A_357 = vector.extract %slice3A_356[0] : i32 from vector<1xi32>
    %jit3A_358 = arith.constant 128 : i32
    %eq3A_359 = arith.constant 0 : i32
    %eq3A_360 = arith.cmpi eq, %jit3A_358, %eq3A_359 : i32
    %jit3A_361 = arith.constant 1 : i32
    %select_n3A_362 = arith.select %eq3A_360, %jit3A_361, %jit3A_358 : i32
    %rem3A_363 = arith.remsi %squeeze3A_357, %select_n3A_362 : i32
    %ne3A_364 = arith.constant 0 : i32
    %ne3A_365 = arith.cmpi ne, %rem3A_363, %ne3A_364 : i32
    %lt3A_366 = arith.constant 0 : i32
    %lt3A_367 = arith.cmpi slt, %rem3A_363, %lt3A_366 : i32
    %lt3A_368 = arith.constant 0 : i32
    %lt3A_369 = arith.cmpi slt, %select_n3A_362, %lt3A_368 : i32
    %ne3A_370 = arith.xori %lt3A_367, %lt3A_369 : i1
    %and3A_371 = arith.andi %ne3A_370, %ne3A_365 : i1
    %add3A_372 = arith.addi %rem3A_363, %select_n3A_362 : i32
    %select_n3A_373 = arith.select %and3A_371, %add3A_372, %rem3A_363 : i32
    %broadcast_in_dim3A_374 = vector.broadcast %select_n3A_373 : i32 to vector<16xi32>
    %broadcast_in_dim3A_375 = arith.constant 511 : i32
    %broadcast_in_dim3A_376 = vector.broadcast %broadcast_in_dim3A_375 : i32 to vector<16xi32>
    %gather3A_377 = arith.constant 7 : i32
    %gather3A_378 = arith.constant 0 : i32
    %gather3A_379 = arith.constant 0 : i32
    %gather3A_380 = tpu.memref_slice %arg6[%gather3A_377, %gather3A_378, %gather3A_379] : memref<8x64x128xf32, #tpu.memory_space<vmem>> -> memref<1x64x128xf32, #tpu.memory_space<vmem>>
    %gather3A_381 = tpu.memref_squeeze %gather3A_380 : memref<1x64x128xf32, #tpu.memory_space<vmem>> -> memref<64x128xf32, #tpu.memory_space<vmem>>
    %gather3A_382 = tpu.vector_load_idx %gather3A_381[%add3A_5, %broadcast_in_dim3A_374] : memref<64x128xf32, #tpu.memory_space<vmem>>[vector<16xi32>, vector<16xi32>], vector<16xf32>,
    tpu.vector_store_idx %arg7[%add3A_5, %broadcast_in_dim3A_376], %gather3A_382 : memref<64x512xf32, #tpu.memory_space<vmem>>[vector<16xi32>, vector<16xi32>], vector<16xf32>,
    %gather3A_383 = arith.constant 7 : i32
    %gather3A_384 = arith.constant 0 : i32
    %gather3A_385 = arith.constant 0 : i32
    %gather3A_386 = tpu.memref_slice %arg6[%gather3A_383, %gather3A_384, %gather3A_385] : memref<8x64x128xf32, #tpu.memory_space<vmem>> -> memref<1x64x128xf32, #tpu.memory_space<vmem>>
    %gather3A_387 = tpu.memref_squeeze %gather3A_386 : memref<1x64x128xf32, #tpu.memory_space<vmem>> -> memref<64x128xf32, #tpu.memory_space<vmem>>
    %gather3A_388 = tpu.vector_load_idx %gather3A_387[%add3A_9, %broadcast_in_dim3A_374] : memref<64x128xf32, #tpu.memory_space<vmem>>[vector<16xi32>, vector<16xi32>], vector<16xf32>,
    tpu.vector_store_idx %arg7[%add3A_9, %broadcast_in_dim3A_376], %gather3A_388 : memref<64x512xf32, #tpu.memory_space<vmem>>[vector<16xi32>, vector<16xi32>], vector<16xf32>,
    %gather3A_389 = arith.constant 7 : i32
    %gather3A_390 = arith.constant 0 : i32
    %gather3A_391 = arith.constant 0 : i32
    %gather3A_392 = tpu.memref_slice %arg6[%gather3A_389, %gather3A_390, %gather3A_391] : memref<8x64x128xf32, #tpu.memory_space<vmem>> -> memref<1x64x128xf32, #tpu.memory_space<vmem>>
    %gather3A_393 = tpu.memref_squeeze %gather3A_392 : memref<1x64x128xf32, #tpu.memory_space<vmem>> -> memref<64x128xf32, #tpu.memory_space<vmem>>
    %gather3A_394 = tpu.vector_load_idx %gather3A_393[%add3A_13, %broadcast_in_dim3A_374] : memref<64x128xf32, #tpu.memory_space<vmem>>[vector<16xi32>, vector<16xi32>], vector<16xf32>,
    tpu.vector_store_idx %arg7[%add3A_13, %broadcast_in_dim3A_376], %gather3A_394 : memref<64x512xf32, #tpu.memory_space<vmem>>[vector<16xi32>, vector<16xi32>], vector<16xf32>,
    %gather3A_395 = arith.constant 7 : i32
    %gather3A_396 = arith.constant 0 : i32
    %gather3A_397 = arith.constant 0 : i32
    %gather3A_398 = tpu.memref_slice %arg6[%gather3A_395, %gather3A_396, %gather3A_397] : memref<8x64x128xf32, #tpu.memory_space<vmem>> -> memref<1x64x128xf32, #tpu.memory_space<vmem>>
    %gather3A_399 = tpu.memref_squeeze %gather3A_398 : memref<1x64x128xf32, #tpu.memory_space<vmem>> -> memref<64x128xf32, #tpu.memory_space<vmem>>
    %gather3A_400 = tpu.vector_load_idx %gather3A_399[%add3A_17, %broadcast_in_dim3A_374] : memref<64x128xf32, #tpu.memory_space<vmem>>[vector<16xi32>, vector<16xi32>], vector<16xf32>,
    tpu.vector_store_idx %arg7[%add3A_17, %broadcast_in_dim3A_376], %gather3A_400 : memref<64x512xf32, #tpu.memory_space<vmem>>[vector<16xi32>, vector<16xi32>], vector<16xf32>,
    "tpu.region"() ({
      %run_scoped3A = tpu.sem_alloc : memref<!tpu.dma_semaphore, #tpu.memory_space<semaphore_mem>>
      %dma_start3A = arith.constant 0 : i32
      %dma_start3A_401 = tpu.memref_slice %arg4[%dma_start3A, %mul3A_2] : memref<64x16384xf32, #tpu.memory_space<hbm>> -> memref<64x512xf32, #tpu.memory_space<hbm>>
      %dma_start3A_402 = arith.constant 0 : i32
      %dma_start3A_403 = tpu.memref_slice %arg4[%dma_start3A_402, %mul3A_2] : memref<64x16384xf32, #tpu.memory_space<hbm>> -> memref<64x512xf32, #tpu.memory_space<hbm>>
      tpu.enqueue_dma source(%arg7 : memref<64x512xf32, #tpu.memory_space<vmem>>) target(%dma_start3A_403 : memref<64x512xf32, #tpu.memory_space<hbm>>) target_semaphore(%run_scoped3A : memref<!tpu.dma_semaphore, #tpu.memory_space<semaphore_mem>>)
      %dma_wait3A_404 = arith.constant 0 : i32
      %dma_wait3A_405 = tpu.memref_slice %arg4[%dma_wait3A_404, %mul3A_2] : memref<64x16384xf32, #tpu.memory_space<hbm>> -> memref<64x512xf32, #tpu.memory_space<hbm>>
      %dma_wait3A_406 = arith.constant 0 : i32
      %dma_wait3A_407 = tpu.memref_slice %arg4[%dma_wait3A_406, %mul3A_2] : memref<64x16384xf32, #tpu.memory_space<hbm>> -> memref<64x512xf32, #tpu.memory_space<hbm>>
      tpu.wait_dma2 semaphore(%run_scoped3A : memref<!tpu.dma_semaphore, #tpu.memory_space<semaphore_mem>>) src(%arg7 : memref<64x512xf32, #tpu.memory_space<vmem>>) dst(%dma_wait3A_407 : memref<64x512xf32, #tpu.memory_space<hbm>>)
      tpu.yield
    }) : () -> ()
    return
  }
}

</mosaic_0001>

<sc_bundles>
// kernel: kernel.3.cloned.1.call-start
scs
__scs_entry_jumppad:
0x0: {  	(pc) =	sbr.rel $0x88, $3  }
0x1: {  	(tag) =	ssettag $0x0;
	lr =	simm.s32 $0x1  }
0x2: {  	[smem:$0x3F9F] =	sst lr;
	_ =	strace $0xD0000000  }
0x3: {  	_ = 	snop  }
0x4: {  	_ = 	snop  }
0x5: {  	_ = 	snop  }
0x6: {  	_ = 	snop  }
0x7: {  	_ = 	snop  }
__scs_overlays_trampoline_lowered:
0x8: {  	[smem:$0x3FAE] =	sst s0  }
0x9: {  	[smem:$0x3FAF] =	sst s1  }
0xa: {  	[smem:$0x3FB0] =	sst s2  }
0xb: {  	[smem:$0x3FB1] =	sst s3  }
0xc: {  	[smem:$0x3FB2] =	sst s4  }
0xd: {  	[smem:$0x3FB3] =	sst s5  }
0xe: {  	[smem:$0x3FB4] =	sst s6  }
0xf: {  	[smem:$0x3FB5] =	sst s7  }
0x10: {  	[smem:$0x3FB6] =	sst s8  }
0x11: {  	[smem:$0x3FB7] =	sst s9;
	s0 =	simm.s32 @!p0 $0x0  }
0x12: {  	s1 =	sld [smem:$0x3F9D];
	s0 =	simm.s32 @p0 $0x1  }
0x13: {  	[smem:$0x3FB8] =	sst s0;
	s0 =	simm.s32 @!p1 $0x0  }
0x14: {  	s2 =	sld [smem:$0x3F9C];
	s0 =	simm.s32 @p1 $0x1  }
0x15: {  	[smem:$0x3FB9] =	sst s0;
	s0 =	simm.s32 @!p2 $0x0  }
0x16: {  	s3 =	sld [smem:$0x3FDB];
	s0 =	simm.s32 @p2 $0x1  }
0x17: {  	s4 =	simm.s32 $0x1BF5;
	[smem:$0x3FBB] =	sst s0  }
0x18: {  	s0 =	sld [smem:$0x3F9E];
	_ =	swait.ge [sflag:s4], $0x0  }
0x19: {  	s7 =	sld [smem:$0x3F9F]  }
0x1a: {  	s8 =	sadd.s32 $0xFFFFE003, lr  }
0x1b: {  	s9 =	sadd.s32 $0xFFFFFEF7, lr;
	s5 =	simm.s32 $0xFFFFFFFF;
	p2 =	slt.u32 s8, $0xFFFFF086  }
0x1c: {  	p1 =	slt.u32 s9, $0xF7A;
	s5 =	simm.s32 @!p2 $0x0  }
0x1d: {  	s5 =	simm.s32 @p1 $0x1;
	p0 =	seq.s32 s7, s2  }
0x1e: {  	s7 =	smul.u32 @!p0 $0xF7A, s2;
	p2 =	seq.s32 @!p0 s5, $0x0  }
0x1f: {  	s9 =	smul.u32 $0xF7A, s1;
	s8 =	simm.s32 @!p0 $0x1BF5;
	p2 =	por !p2, p0  }
0x20: {  	[sflag:s8] =	ssyncset.s32 @!p0 $0xFFFFF086;
	s6 =	sadd.s32 @!p0 s3, s7;
	s7 =	simm.s32 @!p0 $0x108  }
0x21: {  	s3 =	sadd.s32 s3, s9;
	s6 =	sadd.s32 @!p0 $0x88, s6;
	s7 =	simm.s32 @p2 $0x1082  }
0x22: {  	[simem:s7], [sflag:s8] =	dma.local @!p0 [hbm:s6], $0xF7A  }
0x23: {  	s9 =	sor.u32 $0xD0000000, s2;
	s6 =	simm.s32 $0x108;
	_ =	swait.ge @!p0 [sflag:s8], $0x0  }
0x24: {  	s3 =	sadd.s32 $0x88, s3;
	s6 =	simm.s32 @!p1 $0x1082;
	[sflag:s4] =	ssyncset.s32 $0xFFFFF086  }
0x25: {  	[simem:s6], [sflag:s4] =	dma.local [hbm:s3], $0xF7A  }
0x26: {  	[smem:$0x3F9F] =	sst s1;
	(tag) =	ssettag s2;
	_ =	strace s9  }
0x27: {  	s1 =	sld [smem:$0x3FAF]  }
0x28: {  	s2 =	sld [smem:$0x3FB0]  }
0x29: {  	s4 =	sld [smem:$0x3FB2]  }
0x2a: {  	p0 =	seq.s32 s5, $0x0;
	s5 =	sld [smem:$0x3FB3]  }
0x2b: {  	s6 =	sld [smem:$0x3FB4]  }
0x2c: {  	s7 =	sld [smem:$0x3FB5]  }
0x2d: {  	s3 =	simm.s32 $0x108;
	s8 =	sld [smem:$0x3FB6]  }
0x2e: {  	s3 =	simm.s32 @!p0 $0x1082;
	s9 =	sld [smem:$0x3FB7]  }
0x2f: {  	lr =	sadd.s32 s0, s3;
	s0 =	sld [smem:$0x3FAE]  }
0x30: {  	s3 =	sld [smem:$0x3FB1]  }
0x31: {  	[smem:$0x3FBA] =	sst s10  }
0x32: {  	s10 =	sld [smem:$0x3FB8];
	_ =	sdelay $0x3  }
0x33: {  	p0 =	seq.s32 s10, $0x1;
	s10 =	sld [smem:$0x3FBA];
	_ =	sdelay $0x3  }
0x34: {  	[smem:$0x3FBA] =	sst s10  }
0x35: {  	s10 =	sld [smem:$0x3FB9];
	_ =	sdelay $0x3  }
0x36: {  	p1 =	seq.s32 s10, $0x1;
	s10 =	sld [smem:$0x3FBA];
	_ =	sdelay $0x3  }
0x37: {  	[smem:$0x3FBA] =	sst s10  }
0x38: {  	s10 =	sld [smem:$0x3FBB]  }
0x39: {  	_ = 	snop;
	(pc) =	sbr.ind lr, $3  }
0x3a: {  	_ = 	snop  }
0x3b: {  	_ = 	snop  }
0x3c: {  	p2 =	seq.s32 s10, $0x1;
	s10 =	sld [smem:$0x3FBA]  }
0x3d: {  	_ =	shalt  }
0x3e: {  	_ =	shalt  }
0x3f: {  	_ =	shalt  }
0x40: {  	_ =	shalt  }
0x41: {  	_ =	shalt  }
0x42: {  	_ =	shalt  }
0x43: {  	_ =	shalt  }
0x44: {  	_ =	shalt  }
0x45: {  	_ =	shalt  }
0x46: {  	_ =	shalt  }
0x47: {  	_ =	shalt  }
0x48: {  	_ =	shalt  }
0x49: {  	_ =	shalt  }
0x4a: {  	_ =	shalt  }
0x4b: {  	_ =	shalt  }
0x4c: {  	_ =	shalt  }
0x4d: {  	_ =	shalt  }
0x4e: {  	_ =	shalt  }
0x4f: {  	_ =	shalt  }
0x50: {  	_ =	shalt  }
0x51: {  	_ =	shalt  }
0x52: {  	_ =	shalt  }
0x53: {  	_ =	shalt  }
0x54: {  	_ =	shalt  }
0x55: {  	_ =	shalt  }
0x56: {  	_ =	shalt  }
0x57: {  	_ =	shalt  }
0x58: {  	_ =	shalt  }
0x59: {  	_ =	shalt  }
0x5a: {  	_ =	shalt  }
0x5b: {  	_ =	shalt  }
0x5c: {  	_ =	shalt  }
0x5d: {  	_ =	shalt  }
0x5e: {  	_ =	shalt  }
0x5f: {  	_ =	shalt  }
0x60: {  	_ =	shalt  }
0x61: {  	_ =	shalt  }
0x62: {  	_ =	shalt  }
0x63: {  	_ =	shalt  }
0x64: {  	_ =	shalt  }
0x65: {  	_ =	shalt  }
0x66: {  	_ =	shalt  }
0x67: {  	_ =	shalt  }
0x68: {  	_ =	shalt  }
0x69: {  	_ =	shalt  }
0x6a: {  	_ =	shalt  }
0x6b: {  	_ =	shalt  }
0x6c: {  	_ =	shalt  }
0x6d: {  	_ =	shalt  }
0x6e: {  	_ =	shalt  }
0x6f: {  	_ =	shalt  }
0x70: {  	_ =	shalt  }
0x71: {  	_ =	shalt  }
0x72: {  	_ =	shalt  }
0x73: {  	_ =	shalt  }
0x74: {  	_ =	shalt  }
0x75: {  	_ =	shalt  }
0x76: {  	_ =	shalt  }
0x77: {  	_ =	shalt  }
0x78: {  	_ =	shalt  }
0x79: {  	_ =	shalt  }
0x7a: {  	_ =	shalt  }
0x7b: {  	_ =	shalt  }
0x7c: {  	_ =	shalt  }
0x7d: {  	_ =	shalt  }
0x7e: {  	_ =	shalt  }
0x7f: {  	_ =	shalt  }
0x80: {  	_ =	shalt  }
0x81: {  	_ =	shalt  }
0x82: {  	_ =	shalt  }
0x83: {  	_ =	shalt  }
0x84: {  	_ =	shalt  }
0x85: {  	_ =	shalt  }
0x86: {  	_ =	shalt  }
0x87: {  	_ =	shalt  }
.Lfunc_end0:
.L_simem_size_0:
called_computation_lowered:
.L_overlay_start_0:
0x88: {  	s2 =	sld [smem:$0x3FD9]  }
0x89: {  	s3 =	sld [smem:$0x3FFE];
	_ =	sdelay $0x1  }
0x8a: {  	s1 =	srdreg.scid  }
0x8b: {  	s0 =	sand.u32 $0x1, s1  }
0x8c: {  	s18 =	sshll.u32 s0, $0xA;
	s2 =	sadd.s32 s3, s2  }
0x8d: {  	s2 =	sadd.s32 s2, s18  }
0x8e: {  	[smem:$0x3FC6] =	sst s2  }
0x8f: {  	_ = 	snop  }
0x90: {  	s2 =	sld [smem:$0x3FC9]  }
0x91: {  	s19 =	sld [smem:$0x3FC8]  }
0x92: {  	s4 =	sld [smem:$0x3FD0];
	(tm) =	ssettm $0x1  }
0x93: {  	s5 =	sld [smem:$0x3FFB];
	_ =	sdelay $0x3  }
0x94: {  	_ =	strace s5  }
0x95: {  	s5 =	sld [smem:$0x3FFC];
	_ =	sdelay $0x3  }
0x96: {  	_ =	strace s5  }
0x97: {  	s5 =	sld [smem:$0x3FFD];
	_ =	sdelay $0x3  }
0x98: {  	_ =	strace s5  }
0x99: {  	_ =	strace $0x8FFFFFFF  }
0x9a: {  	s20 =	sld [smem:$0x3FDB];
	_ =	sdelay $0x1  }
0x9b: {  	s6 =	simm.s32 $_scs_section_size  }
0x9c: {  	s7 =	simm.s32 $_size__tile_overlayer_lowered;
	s8 =	simm.s32 $_tile_overlayer_lowered  }
0x9d: {  	s23 =	simm.s32 $0x1BFF;
	s22 =	sshll.u32 s8, $0x1;
	s5 =	sadd.s32 s6, s20  }
0x9e: {  	s9 =	simm.s32 $0x0;
	s21 =	sshll.u32 s7, $0x1;
	s7 =	sadd.s32 s22, s5  }
0x9f: {  	[timem:s9], [sflag:s23] =	dma.local [hbm:s7], s21  }
0xa0: {  	_ =	swait.ge [sflag:s23], s21  }
0xa1: {  	s6 =	ssub.s32 $0x0, s21;
	[sflag:s23] =	ssyncset.done $0x0  }
0xa2: {  	[sflag:s23] =	ssyncadd.s32 s6;
	_ =	sdelay $0x1  }
0xa3: {  	s24 =	simm.s32 $0x1B8B  }
0xa4: {  	_ =	swait.ge [sflag:s24], $0x1  }
0xa5: {  	[sflag:s24] =	ssyncset.done $0x0  }
0xa6: {  	s25 =	simm.s32 $0x1B8E;
	[sflag:s24] =	ssyncadd.s32 $0xFFFFFFFF  }
0xa7: {  	s26 =	simm.s32 $execute0_lowered;
	[smem:$0x3FD2] =	sst s25  }
0xa8: {  	s6 =	sshll.u32 s26, $0x1;
	_ =	strace $0x80000046;
	[dreg:$0x1] =	wrdreg $0xFFFFFFFF  }
0xa9: {  	s28 =	simm.s32 $_size_execute0_lowered;
	s5 =	sadd.s32 s5, s6;
	[dreg:$0x0] =	wrdreg $0x0  }
0xaa: {  	s6 =	sshll.u32 s28, $0x1;
	[dreg:$0x2] =	wrdreg s5  }
0xab: {  	[dreg:$0x3] =	wrdreg s6  }
0xac: {  	[dreg:$0x4] =	wrdreg $0xC0  }
0xad: {  	_ =	task [dreg:s9], $0x5FFFF  }
0xae: {  	[dreg:$0x1] =	wrdreg $0xFFFFFFFF  }
0xaf: {  	[dreg:$0x0] =	wrdreg $0x60  }
0xb0: {  	[dreg:$0x2] =	wrdreg s2  }
0xb1: {  	[dreg:$0x3] =	wrdreg s19  }
0xb2: {  	[dreg:$0x4] =	wrdreg s4  }
0xb3: {  	[dreg:$0x5] =	wrdreg $0x9  }
0xb4: {  	_ =	task.clear_ibuf [dreg:s9], $0x6FFFF;
	_ =	strace $0x90000046  }
0xb5: {  	s29 =	simm.s32 $0x9;
	_ =	strace $0x80000048  }
0xb6: {  	_ =	swait.ge [sflag:s29], $0x1  }
0xb7: {  	[sflag:s29] =	ssyncadd.s32 $0xFFFFFFFF  }
0xb8: {  	_ =	strace $0x90000048  }
0xb9: {  	_ =	sfence  }
0xba: {  	s30 =	sld [smem:$0x0];
	_ =	sdelay $0x2  }
0xbb: {  	s31 =	sshll.u32 s1, $0xD;
	s1 =	sshrl.u32 s1, $0x2  }
0xbc: {  	s3 =	sand.u32 $0x4000, s31;
	s1 =	sadd.s32 s1, s30  }
0xbd: {  	s0 =	sor.u32 s3, s0;
	s1 =	sshll.u32 s1, $0x11  }
0xbe: {  	s0 =	sor.u32 s1, s0  }
0xbf: {  	s0 =	sadd.s32 $0x8F2B, s0  }
0xc0: {  	[sflag:s0] =	ssyncadd.remote.s32 $0x1  }
0xc1: {  	_ =	sfence.sel $0xFFFF  }
0xc2: {  	[dreg:$0x0] =	wrdreg $0xFFFFFFFF;
	(pc) =	sbr.abs _section_cstart, $3  }
0xc3: {  	[dreg:$0x1] =	wrdreg $0xFFFFFFFF  }
0xc4: {  	_ =	task.clear_ibuf [dreg:s9], $0x2FFFF;
	_ =	strace $0x9FFFFFFF  }
0xc5: {  	(tm) =	ssettm $0x7FFFFFFF  }
tec
execute0_lowered:
.L_overlay_start_1:
0x0: {  	(tag) =	ssettag $0x1  }
0x1: {  	v0 =	vimm.s32 $0x1FF8;
	vm14 =	vcmask $0x300  }
0x2: {  	vm13 =	vcmask $0x704;
	vm12 =	vcmask $0xB08;
	vm11 =	vcmask $0xF0C  }
0x3: {  	vm10 =	vcmask $0x1310;
	vm9 =	vcmask $0x1714;
	vm8 =	vcmask $0x1B18  }
0x4: {  	v1 =	vlaneseq.u32;
	vm7 =	vcmask $0x1F1C;
	vm0 =	vcmask $0x2320  }
0x5: {  	v3 =	vimm.s32 $0x5FF8;
	vm1 =	vcmask $0x2724;
	vm2 =	vcmask $0x2B28  }
0x6: {  	vm3 =	vcmask $0x2F2C;
	vm4 =	vcmask $0x3330;
	vm5 =	vcmask $0x3734  }
0x7: {  	vm6 =	vcmask $0x3B38;
	v7 =	vimm.s32 $0x7FF8;
	v8 =	vimm.s32 $0x1FF9  }
0x8: {  	v9 =	vimm.s32 $0x3FF9;
	v10 =	vimm.s32 $0x5FF9;
	v11 =	vimm.s32 $0x7FF9  }
0x9: {  	v12 =	vimm.s32 $0x1FFA;
	v13 =	vimm.s32 $0x3FFA;
	v14 =	vimm.s32 $0x5FFA  }
0xa: {  	v15 =	vimm.s32 $0x7FFA;
	v16 =	vimm.s32 $0x1FFB;
	v17 =	vimm.s32 $0x3FFB  }
0xb: {  	v18 =	vimm.s32 $0x5FFB;
	v19 =	vimm.s32 $0x7FFB;
	v20 =	vimm.s32 $0x1FFC  }
0xc: {  	v21 =	vimm.s32 $0x3FFC;
	v22 =	vimm.s32 $0x5FFC;
	v23 =	vimm.s32 $0x7FFC  }
0xd: {  	v24 =	vimm.s32 $0x1FFD;
	v25 =	vimm.s32 $0x3FFD;
	v26 =	vimm.s32 $0x5FFD  }
0xe: {  	v27 =	vimm.s32 $0x7FFD;
	v28 =	vimm.s32 $0x1FFE;
	v29 =	vimm.s32 $0x3FFE  }
0xf: {  	v30 =	vimm.s32 $0x5FFE;
	v31 =	vimm.s32 $0x7FFE;
	v32 =	vimm.s32 $0x1FFF  }
0x10: {  	v33 =	vimm.s32 $0x3FFF;
	v34 =	vimm.s32 $0x5FFF;
	v35 =	vimm.s32 $0x7FFF  }
0x11: {  	v36 =	vimm.s32 $0x1380;
	v37 =	vimm.s32 $0x3380;
	v38 =	vimm.s32 $0x5380  }
0x12: {  	v39 =	vimm.s32 $0x7380;
	v0 =	vsel vm14, $0xC78, v0;
	v3 =	vsel vm14, $0x4C78, v3  }
0x13: {  	v7 =	vsel vm14, $0x6C78, v7;
	v8 =	vsel vm14, $0xC79, v8;
	v9 =	vsel vm14, $0x2C79, v9  }
0x14: {  	v10 =	vsel vm14, $0x4C79, v10;
	v11 =	vsel vm14, $0x6C79, v11;
	v12 =	vsel vm14, $0xC7A, v12  }
0x15: {  	v13 =	vsel vm14, $0x2C7A, v13;
	v14 =	vsel vm14, $0x4C7A, v14;
	v15 =	vsel vm14, $0x6C7A, v15  }
0x16: {  	v16 =	vsel vm14, $0xC7B, v16;
	v17 =	vsel vm14, $0x2C7B, v17;
	v18 =	vsel vm14, $0x4C7B, v18  }
0x17: {  	v19 =	vsel vm14, $0x6C7B, v19;
	v20 =	vsel vm14, $0xC7C, v20;
	v21 =	vsel vm14, $0x2C7C, v21  }
0x18: {  	v22 =	vsel vm14, $0x4C7C, v22;
	v23 =	vsel vm14, $0x6C7C, v23;
	v24 =	vsel vm14, $0xC7D, v24  }
0x19: {  	v25 =	vsel vm14, $0x2C7D, v25;
	v26 =	vsel vm14, $0x4C7D, v26;
	v27 =	vsel vm14, $0x6C7D, v27  }
0x1a: {  	v28 =	vsel vm14, $0xC7E, v28;
	v29 =	vsel vm14, $0x2C7E, v29;
	v30 =	vsel vm14, $0x4C7E, v30  }
0x1b: {  	v31 =	vsel vm14, $0x6C7E, v31;
	v32 =	vsel vm14, $0xC7F, v32;
	v33 =	vsel vm14, $0x2C7F, v33  }
0x1c: {  	v34 =	vsel vm14, $0x4C7F, v34;
	v35 =	vsel vm14, $0x6C7F, v35;
	v36 =	vsel vm14, $0x0, v36  }
0x1d: {  	v37 =	vsel vm14, $0x2000, v37;
	v38 =	vsel vm14, $0x4000, v38;
	v39 =	vsel vm14, $0x6000, v39  }
0x1e: {  	v0 =	vsel vm13, $0xCF8, v0;
	v3 =	vsel vm13, $0x4CF8, v3;
	v7 =	vsel vm13, $0x6CF8, v7  }
0x1f: {  	v8 =	vsel vm13, $0xCF9, v8;
	v9 =	vsel vm13, $0x2CF9, v9;
	v10 =	vsel vm13, $0x4CF9, v10  }
0x20: {  	v11 =	vsel vm13, $0x6CF9, v11;
	v12 =	vsel vm13, $0xCFA, v12;
	v13 =	vsel vm13, $0x2CFA, v13  }
0x21: {  	v14 =	vsel vm13, $0x4CFA, v14;
	v15 =	vsel vm13, $0x6CFA, v15;
	v16 =	vsel vm13, $0xCFB, v16  }
0x22: {  	v17 =	vsel vm13, $0x2CFB, v17;
	v18 =	vsel vm13, $0x4CFB, v18;
	v19 =	vsel vm13, $0x6CFB, v19  }
0x23: {  	v20 =	vsel vm13, $0xCFC, v20;
	v21 =	vsel vm13, $0x2CFC, v21;
	v22 =	vsel vm13, $0x4CFC, v22  }
0x24: {  	v23 =	vsel vm13, $0x6CFC, v23;
	v24 =	vsel vm13, $0xCFD, v24;
	v25 =	vsel vm13, $0x2CFD, v25  }
0x25: {  	v26 =	vsel vm13, $0x4CFD, v26;
	v27 =	vsel vm13, $0x6CFD, v27;
	v28 =	vsel vm13, $0xCFE, v28  }
0x26: {  	v29 =	vsel vm13, $0x2CFE, v29;
	v30 =	vsel vm13, $0x4CFE, v30;
	v31 =	vsel vm13, $0x6CFE, v31  }
0x27: {  	v32 =	vsel vm13, $0xCFF, v32;
	v33 =	vsel vm13, $0x2CFF, v33;
	v34 =	vsel vm13, $0x4CFF, v34  }
0x28: {  	v35 =	vsel vm13, $0x6CFF, v35;
	v36 =	vsel vm13, $0x80, v36;
	v37 =	vsel vm13, $0x2080, v37  }
0x29: {  	v38 =	vsel vm13, $0x4080, v38;
	v39 =	vsel vm13, $0x6080, v39;
	v0 =	vsel vm12, $0xD78, v0  }
0x2a: {  	v3 =	vsel vm12, $0x4D78, v3;
	v7 =	vsel vm12, $0x6D78, v7;
	v8 =	vsel vm12, $0xD79, v8  }
0x2b: {  	v9 =	vsel vm12, $0x2D79, v9;
	v10 =	vsel vm12, $0x4D79, v10;
	v11 =	vsel vm12, $0x6D79, v11  }
0x2c: {  	v12 =	vsel vm12, $0xD7A, v12;
	v13 =	vsel vm12, $0x2D7A, v13;
	v14 =	vsel vm12, $0x4D7A, v14  }
0x2d: {  	v15 =	vsel vm12, $0x6D7A, v15;
	v16 =	vsel vm12, $0xD7B, v16;
	v17 =	vsel vm12, $0x2D7B, v17  }
0x2e: {  	v18 =	vsel vm12, $0x4D7B, v18;
	v19 =	vsel vm12, $0x6D7B, v19;
	v20 =	vsel vm12, $0xD7C, v20  }
0x2f: {  	v21 =	vsel vm12, $0x2D7C, v21;
	v22 =	vsel vm12, $0x4D7C, v22;
	v23 =	vsel vm12, $0x6D7C, v23  }
0x30: {  	v24 =	vsel vm12, $0xD7D, v24;
	v25 =	vsel vm12, $0x2D7D, v25;
	v26 =	vsel vm12, $0x4D7D, v26  }
0x31: {  	v27 =	vsel vm12, $0x6D7D, v27;
	v28 =	vsel vm12, $0xD7E, v28;
	v29 =	vsel vm12, $0x2D7E, v29  }
0x32: {  	v30 =	vsel vm12, $0x4D7E, v30;
	v31 =	vsel vm12, $0x6D7E, v31;
	v32 =	vsel vm12, $0xD7F, v32  }
0x33: {  	v33 =	vsel vm12, $0x2D7F, v33;
	v34 =	vsel vm12, $0x4D7F, v34;
	v35 =	vsel vm12, $0x6D7F, v35  }
0x34: {  	v36 =	vsel vm12, $0x100, v36;
	v37 =	vsel vm12, $0x2100, v37;
	v38 =	vsel vm12, $0x4100, v38  }
0x35: {  	v39 =	vsel vm12, $0x6100, v39;
	v0 =	vsel vm11, $0xDF8, v0;
	v3 =	vsel vm11, $0x4DF8, v3  }
0x36: {  	v7 =	vsel vm11, $0x6DF8, v7;
	v8 =	vsel vm11, $0xDF9, v8;
	v9 =	vsel vm11, $0x2DF9, v9  }
0x37: {  	v10 =	vsel vm11, $0x4DF9, v10;
	v11 =	vsel vm11, $0x6DF9, v11;
	v12 =	vsel vm11, $0xDFA, v12  }
0x38: {  	v13 =	vsel vm11, $0x2DFA, v13;
	v14 =	vsel vm11, $0x4DFA, v14;
	v15 =	vsel vm11, $0x6DFA, v15  }
0x39: {  	v16 =	vsel vm11, $0xDFB, v16;
	v17 =	vsel vm11, $0x2DFB, v17;
	v18 =	vsel vm11, $0x4DFB, v18  }
0x3a: {  	v19 =	vsel vm11, $0x6DFB, v19;
	v20 =	vsel vm11, $0xDFC, v20;
	v21 =	vsel vm11, $0x2DFC, v21  }
0x3b: {  	v22 =	vsel vm11, $0x4DFC, v22;
	v23 =	vsel vm11, $0x6DFC, v23;
	v24 =	vsel vm11, $0xDFD, v24  }
0x3c: {  	v25 =	vsel vm11, $0x2DFD, v25;
	v26 =	vsel vm11, $0x4DFD, v26;
	v27 =	vsel vm11, $0x6DFD, v27  }
0x3d: {  	v28 =	vsel vm11, $0xDFE, v28;
	v29 =	vsel vm11, $0x2DFE, v29;
	v30 =	vsel vm11, $0x4DFE, v30  }
0x3e: {  	v31 =	vsel vm11, $0x6DFE, v31;
	v32 =	vsel vm11, $0xDFF, v32;
	v33 =	vsel vm11, $0x2DFF, v33  }
0x3f: {  	v34 =	vsel vm11, $0x4DFF, v34;
	v35 =	vsel vm11, $0x6DFF, v35;
	v36 =	vsel vm11, $0x180, v36  }
0x40: {  	v37 =	vsel vm11, $0x2180, v37;
	v38 =	vsel vm11, $0x4180, v38;
	v39 =	vsel vm11, $0x6180, v39  }
0x41: {  	v0 =	vsel vm10, $0xE78, v0;
	v3 =	vsel vm10, $0x4E78, v3;
	v7 =	vsel vm10, $0x6E78, v7  }
0x42: {  	v8 =	vsel vm10, $0xE79, v8;
	v9 =	vsel vm10, $0x2E79, v9;
	v10 =	vsel vm10, $0x4E79, v10  }
0x43: {  	v11 =	vsel vm10, $0x6E79, v11;
	v12 =	vsel vm10, $0xE7A, v12;
	v13 =	vsel vm10, $0x2E7A, v13  }
0x44: {  	v14 =	vsel vm10, $0x4E7A, v14;
	v15 =	vsel vm10, $0x6E7A, v15;
	v16 =	vsel vm10, $0xE7B, v16  }
0x45: {  	v17 =	vsel vm10, $0x2E7B, v17;
	v18 =	vsel vm10, $0x4E7B, v18;
	v19 =	vsel vm10, $0x6E7B, v19  }
0x46: {  	v20 =	vsel vm10, $0xE7C, v20;
	v21 =	vsel vm10, $0x2E7C, v21;
	v22 =	vsel vm10, $0x4E7C, v22  }
0x47: {  	v23 =	vsel vm10, $0x6E7C, v23;
	v24 =	vsel vm10, $0xE7D, v24;
	v25 =	vsel vm10, $0x2E7D, v25  }
0x48: {  	v26 =	vsel vm10, $0x4E7D, v26;
	v27 =	vsel vm10, $0x6E7D, v27;
	v28 =	vsel vm10, $0xE7E, v28  }
0x49: {  	v29 =	vsel vm10, $0x2E7E, v29;
	v30 =	vsel vm10, $0x4E7E, v30;
	v31 =	vsel vm10, $0x6E7E, v31  }
0x4a: {  	v32 =	vsel vm10, $0xE7F, v32;
	v33 =	vsel vm10, $0x2E7F, v33;
	v34 =	vsel vm10, $0x4E7F, v34  }
0x4b: {  	v35 =	vsel vm10, $0x6E7F, v35;
	v36 =	vsel vm10, $0x200, v36;
	v37 =	vsel vm10, $0x2200, v37  }
0x4c: {  	v38 =	vsel vm10, $0x4200, v38;
	v39 =	vsel vm10, $0x6200, v39;
	v0 =	vsel vm9, $0xEF8, v0  }
0x4d: {  	v3 =	vsel vm9, $0x4EF8, v3;
	v7 =	vsel vm9, $0x6EF8, v7;
	v8 =	vsel vm9, $0xEF9, v8  }
0x4e: {  	v9 =	vsel vm9, $0x2EF9, v9;
	v10 =	vsel vm9, $0x4EF9, v10;
	v11 =	vsel vm9, $0x6EF9, v11  }
0x4f: {  	v12 =	vsel vm9, $0xEFA, v12;
	v13 =	vsel vm9, $0x2EFA, v13;
	v14 =	vsel vm9, $0x4EFA, v14  }
0x50: {  	v15 =	vsel vm9, $0x6EFA, v15;
	v16 =	vsel vm9, $0xEFB, v16;
	v17 =	vsel vm9, $0x2EFB, v17  }
0x51: {  	v18 =	vsel vm9, $0x4EFB, v18;
	v19 =	vsel vm9, $0x6EFB, v19;
	v20 =	vsel vm9, $0xEFC, v20  }
0x52: {  	v21 =	vsel vm9, $0x2EFC, v21;
	v22 =	vsel vm9, $0x4EFC, v22;
	v23 =	vsel vm9, $0x6EFC, v23  }
0x53: {  	v24 =	vsel vm9, $0xEFD, v24;
	v25 =	vsel vm9, $0x2EFD, v25;
	v26 =	vsel vm9, $0x4EFD, v26  }
0x54: {  	v27 =	vsel vm9, $0x6EFD, v27;
	v28 =	vsel vm9, $0xEFE, v28;
	v29 =	vsel vm9, $0x2EFE, v29  }
0x55: {  	v30 =	vsel vm9, $0x4EFE, v30;
	v31 =	vsel vm9, $0x6EFE, v31;
	v32 =	vsel vm9, $0xEFF, v32  }
0x56: {  	v33 =	vsel vm9, $0x2EFF, v33;
	v34 =	vsel vm9, $0x4EFF, v34;
	v35 =	vsel vm9, $0x6EFF, v35  }
0x57: {  	v36 =	vsel vm9, $0x280, v36;
	v37 =	vsel vm9, $0x2280, v37;
	v38 =	vsel vm9, $0x4280, v38  }
0x58: {  	v39 =	vsel vm9, $0x6280, v39;
	v2 =	vsel vm8, $0xF78, v0;
	v0 =	vmul.u32 $0x80, v1  }
0x59: {  	v3 =	vsel vm8, $0x4F78, v3;
	v7 =	vsel vm8, $0x6F78, v7;
	v8 =	vsel vm8, $0xF79, v8  }
0x5a: {  	v9 =	vsel vm8, $0x2F79, v9;
	v10 =	vsel vm8, $0x4F79, v10;
	v11 =	vsel vm8, $0x6F79, v11  }
0x5b: {  	v12 =	vsel vm8, $0xF7A, v12;
	v13 =	vsel vm8, $0x2F7A, v13;
	v14 =	vsel vm8, $0x4F7A, v14  }
0x5c: {  	v15 =	vsel vm8, $0x6F7A, v15;
	v16 =	vsel vm8, $0xF7B, v16;
	v17 =	vsel vm8, $0x2F7B, v17  }
0x5d: {  	v18 =	vsel vm8, $0x4F7B, v18;
	v19 =	vsel vm8, $0x6F7B, v19;
	v20 =	vsel vm8, $0xF7C, v20  }
0x5e: {  	v21 =	vsel vm8, $0x2F7C, v21;
	v22 =	vsel vm8, $0x4F7C, v22;
	v23 =	vsel vm8, $0x6F7C, v23  }
0x5f: {  	v24 =	vsel vm8, $0xF7D, v24;
	v25 =	vsel vm8, $0x2F7D, v25;
	v26 =	vsel vm8, $0x4F7D, v26  }
0x60: {  	v27 =	vsel vm8, $0x6F7D, v27;
	v28 =	vsel vm8, $0xF7E, v28;
	v29 =	vsel vm8, $0x2F7E, v29  }
0x61: {  	v30 =	vsel vm8, $0x4F7E, v30;
	v31 =	vsel vm8, $0x6F7E, v31;
	v32 =	vsel vm8, $0xF7F, v32  }
0x62: {  	v33 =	vsel vm8, $0x2F7F, v33;
	v34 =	vsel vm8, $0x4F7F, v34;
	v35 =	vsel vm8, $0x6F7F, v35  }
0x63: {  	v36 =	vsel vm8, $0x300, v36;
	v37 =	vsel vm8, $0x2300, v37;
	v38 =	vsel vm8, $0x4300, v38  }
0x64: {  	v39 =	vsel vm8, $0x6300, v39;
	v1 =	vsel vm7, $0xFF8, v2;
	v2 =	vimm.s32 $0x3FF8  }
0x65: {  	v3 =	vsel vm7, $0x4FF8, v3;
	v7 =	vsel vm7, $0x6FF8, v7;
	v8 =	vsel vm7, $0xFF9, v8  }
0x66: {  	v9 =	vsel vm7, $0x2FF9, v9;
	v10 =	vsel vm7, $0x4FF9, v10;
	v11 =	vsel vm7, $0x6FF9, v11  }
0x67: {  	v12 =	vsel vm7, $0xFFA, v12;
	v13 =	vsel vm7, $0x2FFA, v13;
	v14 =	vsel vm7, $0x4FFA, v14  }
0x68: {  	v15 =	vsel vm7, $0x6FFA, v15;
	v16 =	vsel vm7, $0xFFB, v16;
	v17 =	vsel vm7, $0x2FFB, v17  }
0x69: {  	v18 =	vsel vm7, $0x4FFB, v18;
	v19 =	vsel vm7, $0x6FFB, v19;
	v20 =	vsel vm7, $0xFFC, v20  }
0x6a: {  	v21 =	vsel vm7, $0x2FFC, v21;
	v22 =	vsel vm7, $0x4FFC, v22;
	v23 =	vsel vm7, $0x6FFC, v23  }
0x6b: {  	v24 =	vsel vm7, $0xFFD, v24;
	v25 =	vsel vm7, $0x2FFD, v25;
	v26 =	vsel vm7, $0x4FFD, v26  }
0x6c: {  	v27 =	vsel vm7, $0x6FFD, v27;
	v28 =	vsel vm7, $0xFFE, v28;
	v29 =	vsel vm7, $0x2FFE, v29  }
0x6d: {  	v30 =	vsel vm7, $0x4FFE, v30;
	v31 =	vsel vm7, $0x6FFE, v31;
	v32 =	vsel vm7, $0xFFF, v32  }
0x6e: {  	v33 =	vsel vm7, $0x2FFF, v33;
	v34 =	vsel vm7, $0x4FFF, v34;
	v35 =	vsel vm7, $0x6FFF, v35  }
0x6f: {  	v36 =	vsel vm7, $0x380, v36;
	v37 =	vsel vm7, $0x2380, v37;
	v38 =	vsel vm7, $0x4380, v38  }
0x70: {  	v39 =	vsel vm7, $0x6380, v39;
	v2 =	vsel vm14, $0x2C78, v2;
	v1 =	vsel vm0, $0x1C78, v1  }
0x71: {  	v3 =	vsel vm0, $0x5C78, v3;
	v6 =	vor.u32 $0x1800, v0;
	v7 =	vsel vm0, $0x7C78, v7  }
0x72: {  	v8 =	vsel vm0, $0x1C79, v8;
	v9 =	vsel vm0, $0x3C79, v9;
	v10 =	vsel vm0, $0x5C79, v10  }
0x73: {  	v11 =	vsel vm0, $0x7C79, v11;
	v12 =	vsel vm0, $0x1C7A, v12;
	v13 =	vsel vm0, $0x3C7A, v13  }
0x74: {  	v14 =	vsel vm0, $0x5C7A, v14;
	v15 =	vsel vm0, $0x7C7A, v15;
	v16 =	vsel vm0, $0x1C7B, v16  }
0x75: {  	v17 =	vsel vm0, $0x3C7B, v17;
	v18 =	vsel vm0, $0x5C7B, v18;
	v19 =	vsel vm0, $0x7C7B, v19  }
0x76: {  	v20 =	vsel vm0, $0x1C7C, v20;
	v21 =	vsel vm0, $0x3C7C, v21;
	v22 =	vsel vm0, $0x5C7C, v22  }
0x77: {  	v23 =	vsel vm0, $0x7C7C, v23;
	v24 =	vsel vm0, $0x1C7D, v24;
	v25 =	vsel vm0, $0x3C7D, v25  }
0x78: {  	v26 =	vsel vm0, $0x5C7D, v26;
	v27 =	vsel vm0, $0x7C7D, v27;
	v28 =	vsel vm0, $0x1C7E, v28  }
0x79: {  	v29 =	vsel vm0, $0x3C7E, v29;
	v30 =	vsel vm0, $0x5C7E, v30;
	v31 =	vsel vm0, $0x7C7E, v31  }
0x7a: {  	v32 =	vsel vm0, $0x1C7F, v32;
	v33 =	vsel vm0, $0x3C7F, v33;
	v34 =	vsel vm0, $0x5C7F, v34  }
0x7b: {  	v35 =	vsel vm0, $0x7C7F, v35;
	v36 =	vsel vm0, $0x1000, v36;
	v37 =	vsel vm0, $0x3000, v37  }
0x7c: {  	v38 =	vsel vm0, $0x5000, v38;
	v39 =	vsel vm0, $0x7000, v39;
	v2 =	vsel vm13, $0x2CF8, v2  }
0x7d: {  	v1 =	vsel vm1, $0x1CF8, v1;
	v3 =	vsel vm1, $0x5CF8, v3;
	v7 =	vsel vm1, $0x7CF8, v7  }
0x7e: {  	v8 =	vsel vm1, $0x1CF9, v8;
	v9 =	vsel vm1, $0x3CF9, v9;
	v10 =	vsel vm1, $0x5CF9, v10  }
0x7f: {  	v11 =	vsel vm1, $0x7CF9, v11;
	v12 =	vsel vm1, $0x1CFA, v12;
	v13 =	vsel vm1, $0x3CFA, v13  }
0x80: {  	v14 =	vsel vm1, $0x5CFA, v14;
	v15 =	vsel vm1, $0x7CFA, v15;
	v16 =	vsel vm1, $0x1CFB, v16  }
0x81: {  	v17 =	vsel vm1, $0x3CFB, v17;
	v18 =	vsel vm1, $0x5CFB, v18;
	v19 =	vsel vm1, $0x7CFB, v19  }
0x82: {  	v20 =	vsel vm1, $0x1CFC, v20;
	v21 =	vsel vm1, $0x3CFC, v21;
	v22 =	vsel vm1, $0x5CFC, v22  }
0x83: {  	v23 =	vsel vm1, $0x7CFC, v23;
	v24 =	vsel vm1, $0x1CFD, v24;
	v25 =	vsel vm1, $0x3CFD, v25  }
0x84: {  	v26 =	vsel vm1, $0x5CFD, v26;
	v27 =	vsel vm1, $0x7CFD, v27;
	v28 =	vsel vm1, $0x1CFE, v28  }
0x85: {  	v29 =	vsel vm1, $0x3CFE, v29;
	v30 =	vsel vm1, $0x5CFE, v30;
	v31 =	vsel vm1, $0x7CFE, v31  }
0x86: {  	v32 =	vsel vm1, $0x1CFF, v32;
	v33 =	vsel vm1, $0x3CFF, v33;
	v34 =	vsel vm1, $0x5CFF, v34  }
0x87: {  	v35 =	vsel vm1, $0x7CFF, v35;
	v36 =	vsel vm1, $0x1080, v36;
	v37 =	vsel vm1, $0x3080, v37  }
0x88: {  	v38 =	vsel vm1, $0x5080, v38;
	v39 =	vsel vm1, $0x7080, v39;
	v2 =	vsel vm12, $0x2D78, v2  }
0x89: {  	v1 =	vsel vm2, $0x1D78, v1;
	v3 =	vsel vm2, $0x5D78, v3;
	v7 =	vsel vm2, $0x7D78, v7  }
0x8a: {  	v8 =	vsel vm2, $0x1D79, v8;
	v9 =	vsel vm2, $0x3D79, v9;
	v10 =	vsel vm2, $0x5D79, v10  }
0x8b: {  	v11 =	vsel vm2, $0x7D79, v11;
	v12 =	vsel vm2, $0x1D7A, v12;
	v13 =	vsel vm2, $0x3D7A, v13  }
0x8c: {  	v14 =	vsel vm2, $0x5D7A, v14;
	v15 =	vsel vm2, $0x7D7A, v15;
	v16 =	vsel vm2, $0x1D7B, v16  }
0x8d: {  	v17 =	vsel vm2, $0x3D7B, v17;
	v18 =	vsel vm2, $0x5D7B, v18;
	v19 =	vsel vm2, $0x7D7B, v19  }
0x8e: {  	v20 =	vsel vm2, $0x1D7C, v20;
	v21 =	vsel vm2, $0x3D7C, v21;
	v22 =	vsel vm2, $0x5D7C, v22  }
0x8f: {  	v23 =	vsel vm2, $0x7D7C, v23;
	v24 =	vsel vm2, $0x1D7D, v24;
	v25 =	vsel vm2, $0x3D7D, v25  }
0x90: {  	v26 =	vsel vm2, $0x5D7D, v26;
	v27 =	vsel vm2, $0x7D7D, v27;
	v28 =	vsel vm2, $0x1D7E, v28  }
0x91: {  	v29 =	vsel vm2, $0x3D7E, v29;
	v30 =	vsel vm2, $0x5D7E, v30;
	v31 =	vsel vm2, $0x7D7E, v31  }
0x92: {  	v32 =	vsel vm2, $0x1D7F, v32;
	v33 =	vsel vm2, $0x3D7F, v33;
	v34 =	vsel vm2, $0x5D7F, v34  }
0x93: {  	v35 =	vsel vm2, $0x7D7F, v35;
	v36 =	vsel vm2, $0x1100, v36;
	v37 =	vsel vm2, $0x3100, v37  }
0x94: {  	v38 =	vsel vm2, $0x5100, v38;
	v39 =	vsel vm2, $0x7100, v39;
	v2 =	vsel vm11, $0x2DF8, v2  }
0x95: {  	v1 =	vsel vm3, $0x1DF8, v1;
	v3 =	vsel vm3, $0x5DF8, v3;
	v7 =	vsel vm3, $0x7DF8, v7  }
0x96: {  	v8 =	vsel vm3, $0x1DF9, v8;
	v9 =	vsel vm3, $0x3DF9, v9;
	v10 =	vsel vm3, $0x5DF9, v10  }
0x97: {  	v11 =	vsel vm3, $0x7DF9, v11;
	v12 =	vsel vm3, $0x1DFA, v12;
	v13 =	vsel vm3, $0x3DFA, v13  }
0x98: {  	v14 =	vsel vm3, $0x5DFA, v14;
	v15 =	vsel vm3, $0x7DFA, v15;
	v16 =	vsel vm3, $0x1DFB, v16  }
0x99: {  	v17 =	vsel vm3, $0x3DFB, v17;
	v18 =	vsel vm3, $0x5DFB, v18;
	v19 =	vsel vm3, $0x7DFB, v19  }
0x9a: {  	v20 =	vsel vm3, $0x1DFC, v20;
	v21 =	vsel vm3, $0x3DFC, v21;
	v22 =	vsel vm3, $0x5DFC, v22  }
0x9b: {  	v23 =	vsel vm3, $0x7DFC, v23;
	v24 =	vsel vm3, $0x1DFD, v24;
	v25 =	vsel vm3, $0x3DFD, v25  }
0x9c: {  	v26 =	vsel vm3, $0x5DFD, v26;
	v27 =	vsel vm3, $0x7DFD, v27;
	v28 =	vsel vm3, $0x1DFE, v28  }
0x9d: {  	v29 =	vsel vm3, $0x3DFE, v29;
	v30 =	vsel vm3, $0x5DFE, v30;
	v31 =	vsel vm3, $0x7DFE, v31  }
0x9e: {  	v32 =	vsel vm3, $0x1DFF, v32;
	v33 =	vsel vm3, $0x3DFF, v33;
	v34 =	vsel vm3, $0x5DFF, v34  }
0x9f: {  	v35 =	vsel vm3, $0x7DFF, v35;
	v36 =	vsel vm3, $0x1180, v36;
	v37 =	vsel vm3, $0x3180, v37  }
0xa0: {  	v38 =	vsel vm3, $0x5180, v38;
	v39 =	vsel vm3, $0x7180, v39;
	v2 =	vsel vm10, $0x2E78, v2  }
0xa1: {  	v1 =	vsel vm4, $0x1E78, v1;
	v5 =	vsel vm4, $0x5E78, v3;
	v7 =	vsel vm4, $0x7E78, v7  }
0xa2: {  	v8 =	vsel vm4, $0x1E79, v8;
	v9 =	vsel vm4, $0x3E79, v9;
	v10 =	vsel vm4, $0x5E79, v10  }
0xa3: {  	v11 =	vsel vm4, $0x7E79, v11;
	v12 =	vsel vm4, $0x1E7A, v12;
	v13 =	vsel vm4, $0x3E7A, v13  }
0xa4: {  	v14 =	vsel vm4, $0x5E7A, v14;
	v15 =	vsel vm4, $0x7E7A, v15;
	v16 =	vsel vm4, $0x1E7B, v16  }
0xa5: {  	v17 =	vsel vm4, $0x3E7B, v17;
	v18 =	vsel vm4, $0x5E7B, v18;
	v19 =	vsel vm4, $0x7E7B, v19  }
0xa6: {  	v20 =	vsel vm4, $0x1E7C, v20;
	v21 =	vsel vm4, $0x3E7C, v21;
	v22 =	vsel vm4, $0x5E7C, v22  }
0xa7: {  	v23 =	vsel vm4, $0x7E7C, v23;
	v24 =	vsel vm4, $0x1E7D, v24;
	v25 =	vsel vm4, $0x3E7D, v25  }
0xa8: {  	v26 =	vsel vm4, $0x5E7D, v26;
	v27 =	vsel vm4, $0x7E7D, v27;
	v28 =	vsel vm4, $0x1E7E, v28  }
0xa9: {  	v29 =	vsel vm4, $0x3E7E, v29;
	v30 =	vsel vm4, $0x5E7E, v30;
	v31 =	vsel vm4, $0x7E7E, v31  }
0xaa: {  	v32 =	vsel vm4, $0x1E7F, v32;
	v33 =	vsel vm4, $0x3E7F, v33;
	v34 =	vsel vm4, $0x5E7F, v34  }
0xab: {  	v35 =	vsel vm4, $0x7E7F, v35;
	v36 =	vsel vm4, $0x1200, v36;
	v37 =	vsel vm4, $0x3200, v37  }
0xac: {  	v38 =	vsel vm4, $0x5200, v38;
	v39 =	vsel vm4, $0x7200, v39;
	v2 =	vsel vm9, $0x2EF8, v2  }
0xad: {  	v1 =	vsel vm5, $0x1EF8, v1;
	v5 =	vsel vm5, $0x5EF8, v5;
	v7 =	vsel vm5, $0x7EF8, v7  }
0xae: {  	v8 =	vsel vm5, $0x1EF9, v8;
	v9 =	vsel vm5, $0x3EF9, v9;
	v10 =	vsel vm5, $0x5EF9, v10  }
0xaf: {  	v11 =	vsel vm5, $0x7EF9, v11;
	v12 =	vsel vm5, $0x1EFA, v12;
	v13 =	vsel vm5, $0x3EFA, v13  }
0xb0: {  	v14 =	vsel vm5, $0x5EFA, v14;
	v15 =	vsel vm5, $0x7EFA, v15;
	v16 =	vsel vm5, $0x1EFB, v16  }
0xb1: {  	v17 =	vsel vm5, $0x3EFB, v17;
	v18 =	vsel vm5, $0x5EFB, v18;
	v19 =	vsel vm5, $0x7EFB, v19  }
0xb2: {  	v20 =	vsel vm5, $0x1EFC, v20;
	v21 =	vsel vm5, $0x3EFC, v21;
	v22 =	vsel vm5, $0x5EFC, v22  }
0xb3: {  	v23 =	vsel vm5, $0x7EFC, v23;
	v24 =	vsel vm5, $0x1EFD, v24;
	v25 =	vsel vm5, $0x3EFD, v25  }
0xb4: {  	v26 =	vsel vm5, $0x5EFD, v26;
	v27 =	vsel vm5, $0x7EFD, v27;
	v28 =	vsel vm5, $0x1EFE, v28  }
0xb5: {  	v29 =	vsel vm5, $0x3EFE, v29;
	v30 =	vsel vm5, $0x5EFE, v30;
	v31 =	vsel vm5, $0x7EFE, v31  }
0xb6: {  	v32 =	vsel vm5, $0x1EFF, v32;
	v33 =	vsel vm5, $0x3EFF, v33;
	v34 =	vsel vm5, $0x5EFF, v34  }
0xb7: {  	v35 =	vsel vm5, $0x7EFF, v35;
	v36 =	vsel vm5, $0x1280, v36;
	v37 =	vsel vm5, $0x3280, v37  }
0xb8: {  	v38 =	vsel vm5, $0x5280, v38;
	v39 =	vsel vm5, $0x7280, v39;
	v2 =	vsel vm8, $0x2F78, v2  }
0xb9: {  	v1 =	vsel vm6, $0x1F78, v1;
	v5 =	vsel vm6, $0x5F78, v5;
	v7 =	vsel vm6, $0x7F78, v7  }
0xba: {  	v8 =	vsel vm6, $0x1F79, v8;
	v9 =	vsel vm6, $0x3F79, v9;
	v10 =	vsel vm6, $0x5F79, v10  }
0xbb: {  	s1 =	rddreg [dreg:$0x0];
	v11 =	vsel vm6, $0x7F79, v11;
	v12 =	vsel vm6, $0x1F7A, v12;
	v13 =	vsel vm6, $0x3F7A, v13  }
0xbc: {  	s0 =	rddreg [dreg:$0x1];
	s2 =	srdreg.scid;
	v14 =	vsel vm6, $0x5F7A, v14;
	v15 =	vsel vm6, $0x7F7A, v15;
	v16 =	vsel vm6, $0x1F7B, v16  }
0xbd: {  	s5 =	rddreg [dreg:$0x2];
	s3 =	stileid.u32;
	v17 =	vsel vm6, $0x3F7B, v17;
	v18 =	vsel vm6, $0x5F7B, v18;
	v19 =	vsel vm6, $0x7F7B, v19  }
0xbe: {  	s30 =	simm.s32 $0x0;
	s8 =	simm.s32 $0x1;
	s10 =	simm.s32 $0x7A1400;
	v20 =	vsel vm6, $0x1F7C, v20;
	v21 =	vsel vm6, $0x3F7C, v21;
	v22 =	vsel vm6, $0x5F7C, v22  }
0xbf: {  	s9 =	simm.s32 $0x400;
	s11 =	simm.s32 $0x280;
	s12 =	simm.s32 $0x2280;
	v23 =	vsel vm6, $0x7F7C, v23;
	v24 =	vsel vm6, $0x1F7D, v24;
	v25 =	vsel vm6, $0x3F7D, v25  }
0xc0: {  	s13 =	simm.s32 $0x4280;
	s14 =	simm.s32 $0x6280;
	s15 =	simm.s32 $0x8280;
	v26 =	vsel vm6, $0x5F7D, v26;
	v27 =	vsel vm6, $0x7F7D, v27;
	v2 =	vsel vm7, $0x2FF8, v2  }
0xc1: {  	s16 =	simm.s32 $0xA280;
	s17 =	simm.s32 $0xC280;
	s18 =	simm.s32 $0xE280;
	v28 =	vsel vm6, $0x1F7E, v28;
	v29 =	vsel vm6, $0x3F7E, v29;
	v2 =	vsel vm0, $0x3C78, v2  }
0xc2: {  	s19 =	simm.s32 $0x10280;
	s21 =	simm.s32 $0x20000;
	s22 =	simm.s32 $0x0;
	v30 =	vsel vm6, $0x5F7E, v30;
	v31 =	vsel vm6, $0x7F7E, v31;
	v2 =	vsel vm1, $0x3CF8, v2  }
.Ltmp0:
0xc3: {  	s2 =	sand.u32 $0x1, s2;
	s4 =	sshll.u32 s3, $0xA;
	v32 =	vsel vm6, $0x1F7F, v32;
	v33 =	vsel vm6, $0x3F7F, v33;
	v2 =	vsel vm2, $0x3D78, v2;
	(pc) =	sbr.rel .LBB2_1-.Ltmp0, $4  }
0xc4: {  	[smem:$0x7FF] =	sst s30;
	s6 =	sshll.u32 s2, $0x9;
	s2 =	ssub.s32 $0x2, s2;
	v34 =	vsel vm6, $0x5F7F, v34;
	v35 =	vsel vm6, $0x7F7F, v35;
	v2 =	vsel vm3, $0x3DF8, v2  }
0xc5: {  	_ =	strace $0x80000047;
	s6 =	sor.u32 s6, s4;
	s31 =	sshrl.u32 s2, $0x1;
	v36 =	vsel vm6, $0x1300, v36;
	v37 =	vsel vm6, $0x3300, v37;
	v2 =	vsel vm4, $0x3E78, v2  }
0xc6: {  	s7 =	sshrl.u32 s6, $0x3;
	s2 =	ssub.s32 s2, s31;
	s5 =	sadd.s32 s5, s6;
	v38 =	vsel vm6, $0x5300, v38;
	v39 =	vsel vm6, $0x7300, v39;
	v4 =	vsel vm5, $0x3EF8, v2  }
0xc7: {  	s4 =	sadd.s32 s1, s7;
	s6 =	smax.u32 s2, $0x1;
	s7 =	simm.s32 $0x2;
	v2 =	vor.u32 $0x800, v0;
	v3 =	vsel vm6, $0x3F78, v4;
	v4 =	vor.u32 $0x1000, v0  }
.LBB2_7:
0xc8: {  	v40 =	vor.u32 s25, v0;
	_ =	sdelay $0x1  }
0xc9: {  	_ =	swait.ge [sflag:s8], $0x8000  }
0xca: {  	[sflag:s8] =	ssyncset.done $0x0  }
0xcb: {  	[sflag:s8] =	ssyncadd.s32 $0xFFFF8000  }
0xcc: {  	v40 =	vld.idx.msk [tilespmem:v40+s11+$0x0], $0xffff  }
0xcd: {  	v41 =	vor.u32 s25, v2;
	_ =	sdelay $0x3  }
0xce: {  	[tilespmem:v1+s19+$0x0] =	vst.idx.msk $0xffff, v40  }
0xcf: {  	v40 =	vld.idx.msk [tilespmem:v41+s11+$0x0], $0xffff  }
0xd0: {  	v53 =	vor.u32 s25, v4;
	_ =	sdelay $0x3  }
0xd1: {  	[tilespmem:v3+s19+$0x0] =	vst.idx.msk $0xffff, v40  }
0xd2: {  	v40 =	vld.idx.msk [tilespmem:v53+s11+$0x0], $0xffff  }
0xd3: {  	v54 =	vor.u32 s25, v6;
	_ =	sdelay $0x3  }
0xd4: {  	[tilespmem:v5+s19+$0x0] =	vst.idx.msk $0xffff, v40  }
0xd5: {  	v40 =	vld.idx.msk [tilespmem:v54+s11+$0x0], $0xffff  }
0xd6: {  	v55 =	vor.u32 s26, v0;
	_ =	sdelay $0x3  }
0xd7: {  	[tilespmem:v7+s19+$0x0] =	vst.idx.msk $0xffff, v40  }
0xd8: {  	v40 =	vld.idx.msk [tilespmem:v55+s12+$0x0], $0xffff  }
0xd9: {  	v56 =	vor.u32 s26, v2;
	_ =	sdelay $0x3  }
0xda: {  	[tilespmem:v8+s19+$0x0] =	vst.idx.msk $0xffff, v40  }
0xdb: {  	v40 =	vld.idx.msk [tilespmem:v56+s12+$0x0], $0xffff  }
0xdc: {  	v57 =	vor.u32 s26, v4;
	_ =	sdelay $0x3  }
0xdd: {  	[tilespmem:v9+s19+$0x0] =	vst.idx.msk $0xffff, v40  }
0xde: {  	v40 =	vld.idx.msk [tilespmem:v57+s12+$0x0], $0xffff  }
0xdf: {  	v58 =	vor.u32 s26, v6;
	_ =	sdelay $0x3  }
0xe0: {  	[tilespmem:v10+s19+$0x0] =	vst.idx.msk $0xffff, v40  }
0xe1: {  	v40 =	vld.idx.msk [tilespmem:v58+s12+$0x0], $0xffff  }
0xe2: {  	v59 =	vor.u32 s28, v0;
	_ =	sdelay $0x3  }
0xe3: {  	[tilespmem:v11+s19+$0x0] =	vst.idx.msk $0xffff, v40  }
0xe4: {  	v40 =	vld.idx.msk [tilespmem:v59+s13+$0x0], $0xffff  }
0xe5: {  	v60 =	vor.u32 s28, v2;
	_ =	sdelay $0x3  }
0xe6: {  	[tilespmem:v12+s19+$0x0] =	vst.idx.msk $0xffff, v40  }
0xe7: {  	v40 =	vld.idx.msk [tilespmem:v60+s13+$0x0], $0xffff  }
0xe8: {  	v61 =	vor.u32 s28, v4;
	_ =	sdelay $0x3  }
0xe9: {  	[tilespmem:v13+s19+$0x0] =	vst.idx.msk $0xffff, v40  }
0xea: {  	v40 =	vld.idx.msk [tilespmem:v61+s13+$0x0], $0xffff  }
0xeb: {  	v62 =	vor.u32 s28, v6;
	_ =	sdelay $0x3  }
0xec: {  	[tilespmem:v14+s19+$0x0] =	vst.idx.msk $0xffff, v40  }
0xed: {  	v40 =	vld.idx.msk [tilespmem:v62+s13+$0x0], $0xffff  }
0xee: {  	v63 =	vor.u32 s29, v0;
	_ =	sdelay $0x3  }
0xef: {  	[tilespmem:v15+s19+$0x0] =	vst.idx.msk $0xffff, v40  }
0xf0: {  	v40 =	vld.idx.msk [tilespmem:v63+s14+$0x0], $0xffff  }
0xf1: {  	v44 =	vor.u32 s29, v2;
	_ =	sdelay $0x3  }
0xf2: {  	[tilespmem:v16+s19+$0x0] =	vst.idx.msk $0xffff, v40  }
0xf3: {  	v40 =	vld.idx.msk [tilespmem:v44+s14+$0x0], $0xffff  }
0xf4: {  	v45 =	vor.u32 s29, v4;
	_ =	sdelay $0x3  }
0xf5: {  	[tilespmem:v17+s19+$0x0] =	vst.idx.msk $0xffff, v40  }
0xf6: {  	v40 =	vld.idx.msk [tilespmem:v45+s14+$0x0], $0xffff  }
0xf7: {  	v46 =	vor.u32 s29, v6;
	_ =	sdelay $0x3  }
0xf8: {  	[tilespmem:v18+s19+$0x0] =	vst.idx.msk $0xffff, v40  }
0xf9: {  	v40 =	vld.idx.msk [tilespmem:v46+s14+$0x0], $0xffff;
	_ =	sdelay $0x3  }
0xfa: {  	v47 =	vor.u32 s30, v0  }
0xfb: {  	[tilespmem:v19+s19+$0x0] =	vst.idx.msk $0xffff, v40  }
0xfc: {  	_ =	swait.ge [sflag:s8], $0x8000  }
0xfd: {  	[sflag:s8] =	ssyncset.done $0x0  }
0xfe: {  	[sflag:s8] =	ssyncadd.s32 $0xFFFF8000  }
0xff: {  	v48 =	vld.idx.msk [tilespmem:v47+s15+$0x0], $0xffff  }
0x100: {  	v49 =	vor.u32 s30, v2;
	_ =	sdelay $0x3  }
0x101: {  	[tilespmem:v20+s19+$0x0] =	vst.idx.msk $0xffff, v48  }
0x102: {  	v40 =	vld.idx.msk [tilespmem:v49+s15+$0x0], $0xffff  }
0x103: {  	v50 =	vor.u32 s30, v4;
	_ =	sdelay $0x3  }
0x104: {  	[tilespmem:v21+s19+$0x0] =	vst.idx.msk $0xffff, v40  }
0x105: {  	v40 =	vld.idx.msk [tilespmem:v50+s15+$0x0], $0xffff  }
0x106: {  	v51 =	vor.u32 s30, v6;
	_ =	sdelay $0x3  }
0x107: {  	[tilespmem:v22+s19+$0x0] =	vst.idx.msk $0xffff, v40  }
0x108: {  	v40 =	vld.idx.msk [tilespmem:v51+s15+$0x0], $0xffff  }
0x109: {  	v52 =	vor.u32 s31, v0;
	_ =	sdelay $0x3  }
0x10a: {  	[tilespmem:v23+s19+$0x0] =	vst.idx.msk $0xffff, v40  }
0x10b: {  	v40 =	vld.idx.msk [tilespmem:v52+s16+$0x0], $0xffff  }
0x10c: {  	v53 =	vor.u32 s31, v2;
	_ =	sdelay $0x3  }
0x10d: {  	[tilespmem:v24+s19+$0x0] =	vst.idx.msk $0xffff, v40  }
0x10e: {  	v40 =	vld.idx.msk [tilespmem:v53+s16+$0x0], $0xffff  }
0x10f: {  	v54 =	vor.u32 s31, v4;
	_ =	sdelay $0x3  }
0x110: {  	[tilespmem:v25+s19+$0x0] =	vst.idx.msk $0xffff, v40  }
0x111: {  	v40 =	vld.idx.msk [tilespmem:v54+s16+$0x0], $0xffff  }
0x112: {  	v55 =	vor.u32 s31, v6;
	_ =	sdelay $0x3  }
0x113: {  	[tilespmem:v26+s19+$0x0] =	vst.idx.msk $0xffff, v40  }
0x114: {  	v40 =	vld.idx.msk [tilespmem:v55+s16+$0x0], $0xffff  }
0x115: {  	v56 =	vor.u32 s2, v0;
	_ =	sdelay $0x3  }
0x116: {  	[tilespmem:v27+s19+$0x0] =	vst.idx.msk $0xffff, v40  }
0x117: {  	v40 =	vld.idx.msk [tilespmem:v56+s17+$0x0], $0xffff  }
0x118: {  	v57 =	vor.u32 s2, v2;
	_ =	sdelay $0x3  }
0x119: {  	[tilespmem:v28+s19+$0x0] =	vst.idx.msk $0xffff, v40  }
0x11a: {  	v40 =	vld.idx.msk [tilespmem:v57+s17+$0x0], $0xffff  }
0x11b: {  	v58 =	vor.u32 s2, v4;
	_ =	sdelay $0x3  }
0x11c: {  	[tilespmem:v29+s19+$0x0] =	vst.idx.msk $0xffff, v40  }
0x11d: {  	v40 =	vld.idx.msk [tilespmem:v58+s17+$0x0], $0xffff  }
0x11e: {  	v59 =	vor.u32 s2, v6;
	_ =	sdelay $0x3  }
0x11f: {  	[tilespmem:v30+s19+$0x0] =	vst.idx.msk $0xffff, v40  }
0x120: {  	v40 =	vld.idx.msk [tilespmem:v59+s17+$0x0], $0xffff  }
0x121: {  	v60 =	vor.u32 s1, v0;
	_ =	sdelay $0x3  }
0x122: {  	[tilespmem:v31+s19+$0x0] =	vst.idx.msk $0xffff, v40  }
0x123: {  	v40 =	vld.idx.msk [tilespmem:v60+s18+$0x0], $0xffff  }
0x124: {  	v61 =	vor.u32 s1, v2;
	_ =	sdelay $0x3  }
0x125: {  	[tilespmem:v32+s19+$0x0] =	vst.idx.msk $0xffff, v40  }
0x126: {  	v40 =	vld.idx.msk [tilespmem:v61+s18+$0x0], $0xffff  }
0x127: {  	v62 =	vor.u32 s1, v4;
	_ =	sdelay $0x3  }
0x128: {  	[tilespmem:v33+s19+$0x0] =	vst.idx.msk $0xffff, v40  }
0x129: {  	v40 =	vld.idx.msk [tilespmem:v62+s18+$0x0], $0xffff  }
0x12a: {  	v63 =	vor.u32 s1, v6;
	_ =	sdelay $0x3  }
0x12b: {  	[tilespmem:v34+s19+$0x0] =	vst.idx.msk $0xffff, v40  }
0x12c: {  	v40 =	vld.idx.msk [tilespmem:v63+s18+$0x0], $0xffff;
	_ =	sdelay $0x2  }
0x12d: {  	s22 =	sadd.s32 $0x1, s22  }
0x12e: {  	p0 =	sne.s32 s22, s6  }
.Ltmp1:
0x12f: {  	s31 =	simm.s32 $0x1000;
	[tilespmem:v35+s19+$0x0] =	vst.idx.msk $0xffff, v40;
	(pc) =	sbr.rel @!p0 .LBB2_8-.Ltmp1, $4  }
0x130: {  	[hbm4b:s5+s31] =	stream.strided.scatter [tilespmem:s19], [sflag:$0x2], $0x8000, s21, s31, $0x38;
	[tilespmem:$0x18280] =	vst v63  }
0x131: {  	_ =	swait.ge [sflag:s7], $0x8000  }
0x132: {  	[sflag:s7] =	ssyncset.done $0x0  }
0x133: {  	[sflag:s7] =	ssyncadd.s32 $0xFFFF8000  }
.LBB2_1:
.Ltmp2:
0x134: {  	s1 =	simm.s32 $0x0;
	(pc) =	sbr.rel .LBB2_2-.Ltmp2, $4  }
0x135: {  	[tilespmem:s1], [sflag:$0x2] =	stream.linear.gather [hbm4b:s4+s1], $0x200, $0x38;
	[tilespmem:$0x18280] =	vst v63  }
0x136: {  	_ =	swait.ge [sflag:s7], $0x200  }
0x137: {  	[sflag:s7] =	ssyncset.done $0x0  }
0x138: {  	v41 =	vimm.s32 $0x0;
	s23 =	simm.s32 $0xFFFFFFF8;
	s24 =	simm.s32 $0x0;
	[sflag:s7] =	ssyncadd.s32 $0xFFFFFE00  }
.LBB2_6:
0x139: {  	(v2sf) =	vpush v40, $0x4;
	_ =	sdelay $0x5  }
0x13a: {  	(v2sf) =	vpush v40, $0x5;
	_ =	sdelay $0x8  }
0x13b: {  	s1 =	spop (v2sf)  }
0x13c: {  	(v2sf) =	vpush v40, $0x6;
	s30 =	sand.u32 $0x7F, s1  }
0x13d: {  	s2 =	sshra.s32 s1, $0x1F;
	p0 =	slt.s32 s1, $0x1;
	p1 =	sne.s32 s30, $0x0  }
0x13e: {  	s2 =	sshrl.u32 s2, $0x19;
	p0 =	por !p0, !p1  }
0x13f: {  	s1 =	sadd.s32 s2, s1;
	s2 =	simm.s32 $0x1;
	p0 =	por !p0, !p0  }
0x140: {  	s1 =	sshrl.u32 s1, $0x7;
	s2 =	simm.s32 @!p0 $0x0  }
0x141: {  	s20 =	spop (v2sf);
	s1 =	ssub.s32 s1, s2  }
0x142: {  	s31 =	sand.u32 $0x7F, s20;
	s3 =	sshra.s32 s20, $0x1F;
	s1 =	sshll.u32 s1, $0x7  }
0x143: {  	p1 =	slt.s32 s20, $0x1;
	p2 =	sne.s32 s31, $0x0;
	s1 =	sand.u32 $0x1FFFFF80, s1  }
0x144: {  	p0 =	por !p1, !p2;
	s2 =	sshrl.u32 s3, $0x19;
	s1 =	sadd.s32 s0, s1  }
0x145: {  	[tilespmem:s15], [sflag:$0x1] =	stream.strided.gather [hbm4b:s1+s9], $0x2000, s10, s9, $0x38;
	[tilespmem:$0x18280] =	vst v63  }
0x146: {  	(v2sf) =	vpush v40, $0x7;
	p0 =	por !p0, !p0;
	s1 =	sadd.s32 s2, s20;
	s2 =	simm.s32 $0x1  }
0x147: {  	s1 =	sshrl.u32 s1, $0x7;
	s2 =	simm.s32 @!p0 $0x0  }
0x148: {  	s1 =	ssub.s32 s1, s2  }
0x149: {  	s1 =	sshll.u32 s1, $0x7  }
0x14a: {  	s1 =	sand.u32 $0x1FFFFF80, s1  }
0x14b: {  	s3 =	spop (v2sf);
	s1 =	sadd.s32 s0, s1  }
0x14c: {  	[tilespmem:s16], [sflag:$0x1] =	stream.strided.gather [hbm4b:s1+s9], $0x2000, s10, s9, $0x38;
	[tilespmem:$0x18280] =	vst v63  }
0x14d: {  	s2 =	sand.u32 $0x7F, s3  }
0x14e: {  	s20 =	sshra.s32 s3, $0x1F;
	p3 =	slt.s32 s3, $0x1;
	p4 =	sne.s32 s2, $0x0  }
0x14f: {  	s1 =	sshrl.u32 s20, $0x19;
	p0 =	por !p3, !p4  }
0x150: {  	s1 =	sadd.s32 s1, s3;
	s3 =	simm.s32 $0x1;
	p0 =	por !p0, !p0  }
0x151: {  	s1 =	sshrl.u32 s1, $0x7;
	s3 =	simm.s32 @!p0 $0x0  }
0x152: {  	s1 =	ssub.s32 s1, s3  }
0x153: {  	s1 =	sshll.u32 s1, $0x7  }
0x154: {  	s1 =	sand.u32 $0x1FFFFF80, s1  }
0x155: {  	s3 =	spop (v2sf);
	s1 =	sadd.s32 s0, s1  }
0x156: {  	[tilespmem:s17], [sflag:$0x1] =	stream.strided.gather [hbm4b:s1+s9], $0x2000, s10, s9, $0x38;
	[tilespmem:$0x18280] =	vst v63  }
0x157: {  	s1 =	sand.u32 $0x7F, s3  }
0x158: {  	s20 =	sshra.s32 s3, $0x1F;
	p5 =	slt.s32 s3, $0x1;
	p6 =	sne.s32 s1, $0x0  }
0x159: {  	s23 =	sadd.s32 $0x8, s23;
	s20 =	sshrl.u32 s20, $0x19;
	p0 =	por !p5, !p6  }
0x15a: {  	s3 =	sadd.s32 s20, s3;
	s20 =	simm.s32 $0x1;
	p0 =	por !p0, !p0  }
0x15b: {  	s3 =	sshrl.u32 s3, $0x7;
	s20 =	simm.s32 @!p0 $0x0;
	p0 =	sne.s32 s23, $0x1F8  }
.Ltmp3:
0x15c: {  	s3 =	ssub.s32 s3, s20;
	(pc) =	sbr.rel @!p0 .LBB2_7-.Ltmp3, $4  }
0x15d: {  	s3 =	sshll.u32 s3, $0x7  }
0x15e: {  	s3 =	sand.u32 $0x1FFFFF80, s3  }
0x15f: {  	s24 =	sadd.s32 $0x8, s24;
	s3 =	sadd.s32 s0, s3  }
0x160: {  	v41 =	vmov v40;
	[tilespmem:s18], [sflag:$0x1] =	stream.strided.gather [hbm4b:s3+s9], $0x2000, s10, s9, $0x38;
	[tilespmem:$0x18280] =	vst v63  }
.LBB2_2:
0x161: {  	p0 =	seq.s32 s23, $0xFFFFFFF8  }
.Ltmp4:
0x162: {  	v40 =	vld [tilespmem:s24+$0x0];
	(pc) =	sbr.rel @p0 .LBB2_4-.Ltmp4, $1  }
0x163: {  	_ =	sdelay $0x3  }
0x164: {  	_ =	swait.ge [sflag:s8], $0x8000  }
0x165: {  	(v2sf) =	vpush v41, $0x0;
	_ =	sdelay $0xe  }
0x166: {  	s1 =	spop (v2sf)  }
0x167: {  	s1 =	sand.u32 $0x7F, s1  }
0x168: {  	v42 =	vor.u32 s1, v0  }
0x169: {  	v43 =	vmov s23  }
0x16a: {  	v44 =	vshll.u32 v43, $0x3  }
0x16b: {  	[sflag:s8] =	ssyncset.done $0x0;
	v43 =	vand.u32 $0x78, v43;
	v44 =	vand.u32 $0xFFFFFC00, v44  }
0x16c: {  	[sflag:s8] =	ssyncadd.s32 $0xFFFF8000;
	v43 =	vor.u32 v43, v44  }
0x16d: {  	v44 =	vadd.s32 v36, v43;
	v42 =	vld.idx.msk [tilespmem:v42+s11+$0x0], $0xffff  }
0x16e: {  	v45 =	vor.u32 s1, v2  }
0x16f: {  	(v2sf) =	vpush v41, $0x1;
	_ =	sdelay $0x2  }
0x170: {  	[tilespmem:v44+s19+$0x0] =	vst.idx.msk $0xffff, v42  }
0x171: {  	v63 =	vadd.s32 v37, v43;
	v42 =	vld.idx.msk [tilespmem:v45+s11+$0x0], $0xffff  }
0x172: {  	v48 =	vor.u32 s1, v4;
	_ =	sdelay $0x3  }
0x173: {  	[tilespmem:v63+s19+$0x0] =	vst.idx.msk $0xffff, v42  }
0x174: {  	v49 =	vadd.s32 v38, v43;
	v42 =	vld.idx.msk [tilespmem:v48+s11+$0x0], $0xffff  }
0x175: {  	v50 =	vor.u32 s1, v6;
	_ =	sdelay $0x3  }
0x176: {  	s26 =	spop (v2sf);
	[tilespmem:v49+s19+$0x0] =	vst.idx.msk $0xffff, v42  }
0x177: {  	v43 =	vadd.s32 v39, v43;
	s1 =	sand.u32 $0x7F, s26;
	v42 =	vld.idx.msk [tilespmem:v50+s11+$0x0], $0xffff  }
0x178: {  	s2 =	sadd.s32 $0x1, s23;
	v51 =	vor.u32 s1, v0  }
0x179: {  	v52 =	vmov s2  }
0x17a: {  	v46 =	vshll.u32 v52, $0x3  }
0x17b: {  	v46 =	vand.u32 $0xFFFFFC00, v46;
	v45 =	vand.u32 $0x79, v52  }
0x17c: {  	v53 =	vor.u32 v45, v46;
	[tilespmem:v43+s19+$0x0] =	vst.idx.msk $0xffff, v42  }
0x17d: {  	v54 =	vadd.s32 v36, v53;
	v43 =	vld.idx.msk [tilespmem:v51+s12+$0x0], $0xffff  }
0x17e: {  	v55 =	vor.u32 s1, v2  }
0x17f: {  	(v2sf) =	vpush v41, $0x2;
	_ =	sdelay $0x2  }
0x180: {  	[tilespmem:v54+s19+$0x0] =	vst.idx.msk $0xffff, v43  }
0x181: {  	v56 =	vadd.s32 v37, v53;
	v43 =	vld.idx.msk [tilespmem:v55+s12+$0x0], $0xffff  }
0x182: {  	v57 =	vor.u32 s1, v4;
	_ =	sdelay $0x3  }
0x183: {  	[tilespmem:v56+s19+$0x0] =	vst.idx.msk $0xffff, v43  }
0x184: {  	v58 =	vadd.s32 v38, v53;
	v43 =	vld.idx.msk [tilespmem:v57+s12+$0x0], $0xffff  }
0x185: {  	v59 =	vor.u32 s1, v6;
	_ =	sdelay $0x3  }
0x186: {  	s28 =	spop (v2sf);
	[tilespmem:v58+s19+$0x0] =	vst.idx.msk $0xffff, v43  }
0x187: {  	v42 =	vadd.s32 v39, v53;
	s1 =	sand.u32 $0x7F, s28;
	v43 =	vld.idx.msk [tilespmem:v59+s12+$0x0], $0xffff  }
0x188: {  	s29 =	sadd.s32 $0x2, s23;
	v60 =	vor.u32 s1, v0  }
0x189: {  	v61 =	vmov s29  }
0x18a: {  	v62 =	vshll.u32 v61, $0x3  }
0x18b: {  	v45 =	vand.u32 $0x7A, v61;
	v46 =	vand.u32 $0xFFFFFC00, v62  }
0x18c: {  	v63 =	vor.u32 v45, v46;
	[tilespmem:v42+s19+$0x0] =	vst.idx.msk $0xffff, v43  }
0x18d: {  	v48 =	vadd.s32 v36, v63;
	v43 =	vld.idx.msk [tilespmem:v60+s13+$0x0], $0xffff  }
0x18e: {  	v49 =	vor.u32 s1, v2  }
0x18f: {  	(v2sf) =	vpush v41, $0x3;
	_ =	sdelay $0x2  }
0x190: {  	[tilespmem:v48+s19+$0x0] =	vst.idx.msk $0xffff, v43  }
0x191: {  	v50 =	vadd.s32 v37, v63;
	v43 =	vld.idx.msk [tilespmem:v49+s13+$0x0], $0xffff  }
0x192: {  	v51 =	vor.u32 s1, v4;
	_ =	sdelay $0x3  }
0x193: {  	[tilespmem:v50+s19+$0x0] =	vst.idx.msk $0xffff, v43  }
0x194: {  	v52 =	vadd.s32 v38, v63;
	v43 =	vld.idx.msk [tilespmem:v51+s13+$0x0], $0xffff  }
0x195: {  	v53 =	vor.u32 s1, v6;
	_ =	sdelay $0x3  }
0x196: {  	s30 =	spop (v2sf);
	[tilespmem:v52+s19+$0x0] =	vst.idx.msk $0xffff, v43  }
0x197: {  	s1 =	sand.u32 $0x7F, s30;
	v42 =	vadd.s32 v39, v63;
	v43 =	vld.idx.msk [tilespmem:v53+s13+$0x0], $0xffff  }
0x198: {  	s31 =	sadd.s32 $0x3, s23;
	v54 =	vor.u32 s1, v0  }
0x199: {  	v55 =	vmov s31  }
0x19a: {  	v56 =	vshll.u32 v55, $0x3  }
0x19b: {  	v45 =	vand.u32 $0x7B, v55;
	v46 =	vand.u32 $0xFFFFFC00, v56  }
0x19c: {  	v57 =	vor.u32 v45, v46;
	[tilespmem:v42+s19+$0x0] =	vst.idx.msk $0xffff, v43  }
0x19d: {  	v58 =	vadd.s32 v36, v57;
	v43 =	vld.idx.msk [tilespmem:v54+s14+$0x0], $0xffff  }
0x19e: {  	v59 =	vor.u32 s1, v2;
	_ =	sdelay $0x3  }
0x19f: {  	[tilespmem:v58+s19+$0x0] =	vst.idx.msk $0xffff, v43  }
0x1a0: {  	v60 =	vadd.s32 v37, v57;
	v43 =	vld.idx.msk [tilespmem:v59+s14+$0x0], $0xffff  }
0x1a1: {  	v61 =	vor.u32 s1, v4;
	_ =	sdelay $0x3  }
0x1a2: {  	[tilespmem:v60+s19+$0x0] =	vst.idx.msk $0xffff, v43  }
0x1a3: {  	v62 =	vadd.s32 v38, v57;
	v43 =	vld.idx.msk [tilespmem:v61+s14+$0x0], $0xffff  }
0x1a4: {  	v63 =	vor.u32 s1, v6;
	_ =	sdelay $0x3  }
0x1a5: {  	[tilespmem:v62+s19+$0x0] =	vst.idx.msk $0xffff, v43  }
0x1a6: {  	v42 =	vadd.s32 v39, v57;
	v43 =	vld.idx.msk [tilespmem:v63+s14+$0x0], $0xffff;
	_ =	sdelay $0x4  }
0x1a7: {  	[tilespmem:v42+s19+$0x0] =	vst.idx.msk $0xffff, v43  }
.LBB2_4:
0x1a8: {  	(v2sf) =	vpush v40, $0x0;
	_ =	sdelay $0x5  }
0x1a9: {  	(v2sf) =	vpush v40, $0x1;
	_ =	sdelay $0x8  }
0x1aa: {  	s1 =	spop (v2sf)  }
0x1ab: {  	(v2sf) =	vpush v40, $0x2;
	s25 =	sand.u32 $0x7F, s1  }
0x1ac: {  	s2 =	sshra.s32 s1, $0x1F;
	p1 =	slt.s32 s1, $0x1;
	p2 =	sne.s32 s25, $0x0  }
0x1ad: {  	s2 =	sshrl.u32 s2, $0x19;
	p1 =	por !p1, !p2  }
0x1ae: {  	s1 =	sadd.s32 s2, s1;
	s2 =	simm.s32 $0x1;
	p1 =	por !p1, !p1  }
0x1af: {  	s1 =	sshrl.u32 s1, $0x7;
	s2 =	simm.s32 @!p1 $0x0  }
0x1b0: {  	s30 =	spop (v2sf);
	s1 =	ssub.s32 s1, s2  }
0x1b1: {  	s26 =	sand.u32 $0x7F, s30;
	s31 =	sshra.s32 s30, $0x1F;
	s1 =	sshll.u32 s1, $0x7  }
0x1b2: {  	(v2sf) =	vpush v40, $0x3;
	p5 =	slt.s32 s30, $0x1;
	p6 =	sne.s32 s26, $0x0;
	s1 =	sand.u32 $0x1FFFFF80, s1  }
0x1b3: {  	p1 =	por !p5, !p6;
	s2 =	sshrl.u32 s31, $0x19;
	s1 =	sadd.s32 s0, s1  }
0x1b4: {  	[tilespmem:s11], [sflag:$0x1] =	stream.strided.gather [hbm4b:s1+s9], $0x2000, s10, s9, $0x38;
	[tilespmem:$0x18280] =	vst v63  }
0x1b5: {  	p1 =	por !p1, !p1;
	s1 =	sadd.s32 s2, s30;
	s2 =	simm.s32 $0x1  }
0x1b6: {  	s1 =	sshrl.u32 s1, $0x7;
	s2 =	simm.s32 @!p1 $0x0  }
0x1b7: {  	s1 =	ssub.s32 s1, s2  }
0x1b8: {  	s1 =	sshll.u32 s1, $0x7  }
0x1b9: {  	s1 =	sand.u32 $0x1FFFFF80, s1  }
0x1ba: {  	s3 =	spop (v2sf);
	s1 =	sadd.s32 s0, s1  }
0x1bb: {  	[tilespmem:s12], [sflag:$0x1] =	stream.strided.gather [hbm4b:s1+s9], $0x2000, s10, s9, $0x38;
	[tilespmem:$0x18280] =	vst v63  }
0x1bc: {  	s28 =	sand.u32 $0x7F, s3  }
0x1bd: {  	s20 =	sshra.s32 s3, $0x1F;
	p3 =	slt.s32 s3, $0x1;
	p4 =	sne.s32 s28, $0x0  }
0x1be: {  	s1 =	sshrl.u32 s20, $0x19;
	p1 =	por !p3, !p4  }
0x1bf: {  	s2 =	simm.s32 $0x1;
	s1 =	sadd.s32 s1, s3;
	p1 =	por !p1, !p1  }
0x1c0: {  	s1 =	sshrl.u32 s1, $0x7;
	s2 =	simm.s32 @!p1 $0x0  }
0x1c1: {  	s30 =	spop (v2sf);
	s1 =	ssub.s32 s1, s2  }
0x1c2: {  	s29 =	sand.u32 $0x7F, s30;
	s31 =	sshra.s32 s30, $0x1F;
	s1 =	sshll.u32 s1, $0x7  }
0x1c3: {  	p5 =	slt.s32 s30, $0x1;
	p6 =	sne.s32 s29, $0x0;
	s1 =	sand.u32 $0x1FFFFF80, s1  }
0x1c4: {  	p1 =	por !p5, !p6;
	s2 =	sshrl.u32 s31, $0x19;
	s1 =	sadd.s32 s0, s1  }
0x1c5: {  	[tilespmem:s13], [sflag:$0x1] =	stream.strided.gather [hbm4b:s1+s9], $0x2000, s10, s9, $0x38;
	[tilespmem:$0x18280] =	vst v63  }
0x1c6: {  	p1 =	por !p1, !p1;
	s1 =	sadd.s32 s2, s30;
	s2 =	simm.s32 $0x1  }
0x1c7: {  	s1 =	sshrl.u32 s1, $0x7;
	s2 =	simm.s32 @!p1 $0x0  }
.Ltmp5:
0x1c8: {  	s1 =	ssub.s32 s1, s2;
	(pc) =	sbr.rel @p0 .LBB2_6-.Ltmp5, $4  }
0x1c9: {  	s1 =	sshll.u32 s1, $0x7  }
0x1ca: {  	s1 =	sand.u32 $0x1FFFFF80, s1  }
0x1cb: {  	s1 =	sadd.s32 s0, s1  }
0x1cc: {  	[tilespmem:s14], [sflag:$0x1] =	stream.strided.gather [hbm4b:s1+s9], $0x2000, s10, s9, $0x38;
	[tilespmem:$0x18280] =	vst v63  }
0x1cd: {  	_ =	swait.ge [sflag:s8], $0x8000  }
0x1ce: {  	(v2sf) =	vpush v41, $0x4;
	_ =	sdelay $0xe  }
0x1cf: {  	s1 =	spop (v2sf)  }
0x1d0: {  	s1 =	sand.u32 $0x7F, s1  }
0x1d1: {  	s2 =	sadd.s32 $0x4, s23;
	v42 =	vor.u32 s1, v0  }
0x1d2: {  	v43 =	vmov s2  }
0x1d3: {  	v44 =	vshll.u32 v43, $0x3  }
0x1d4: {  	[sflag:s8] =	ssyncset.done $0x0;
	v43 =	vand.u32 $0x7C, v43;
	v44 =	vand.u32 $0xFFFFFC00, v44  }
0x1d5: {  	[sflag:s8] =	ssyncadd.s32 $0xFFFF8000;
	v43 =	vor.u32 v43, v44  }
0x1d6: {  	v44 =	vadd.s32 v36, v43;
	v42 =	vld.idx.msk [tilespmem:v42+s15+$0x0], $0xffff  }
0x1d7: {  	v45 =	vor.u32 s1, v2  }
0x1d8: {  	(v2sf) =	vpush v41, $0x5;
	_ =	sdelay $0x2  }
0x1d9: {  	[tilespmem:v44+s19+$0x0] =	vst.idx.msk $0xffff, v42  }
0x1da: {  	v62 =	vadd.s32 v37, v43;
	v42 =	vld.idx.msk [tilespmem:v45+s15+$0x0], $0xffff  }
0x1db: {  	v63 =	vor.u32 s1, v4;
	_ =	sdelay $0x3  }
0x1dc: {  	[tilespmem:v62+s19+$0x0] =	vst.idx.msk $0xffff, v42  }
0x1dd: {  	v48 =	vadd.s32 v38, v43;
	v42 =	vld.idx.msk [tilespmem:v63+s15+$0x0], $0xffff  }
0x1de: {  	v49 =	vor.u32 s1, v6;
	_ =	sdelay $0x3  }
0x1df: {  	s30 =	spop (v2sf);
	[tilespmem:v48+s19+$0x0] =	vst.idx.msk $0xffff, v42  }
0x1e0: {  	v43 =	vadd.s32 v39, v43;
	s1 =	sand.u32 $0x7F, s30;
	v42 =	vld.idx.msk [tilespmem:v49+s15+$0x0], $0xffff  }
0x1e1: {  	s31 =	sadd.s32 $0x5, s23;
	v50 =	vor.u32 s1, v0  }
0x1e2: {  	v51 =	vmov s31  }
0x1e3: {  	v46 =	vshll.u32 v51, $0x3  }
0x1e4: {  	v46 =	vand.u32 $0xFFFFFC00, v46;
	v45 =	vand.u32 $0x7D, v51  }
0x1e5: {  	v52 =	vor.u32 v45, v46;
	[tilespmem:v43+s19+$0x0] =	vst.idx.msk $0xffff, v42  }
0x1e6: {  	v53 =	vadd.s32 v36, v52;
	v43 =	vld.idx.msk [tilespmem:v50+s16+$0x0], $0xffff  }
0x1e7: {  	v54 =	vor.u32 s1, v2  }
0x1e8: {  	(v2sf) =	vpush v41, $0x6;
	_ =	sdelay $0x2  }
0x1e9: {  	[tilespmem:v53+s19+$0x0] =	vst.idx.msk $0xffff, v43  }
0x1ea: {  	v55 =	vadd.s32 v37, v52;
	v43 =	vld.idx.msk [tilespmem:v54+s16+$0x0], $0xffff  }
0x1eb: {  	v56 =	vor.u32 s1, v4;
	_ =	sdelay $0x3  }
0x1ec: {  	[tilespmem:v55+s19+$0x0] =	vst.idx.msk $0xffff, v43  }
0x1ed: {  	v57 =	vadd.s32 v38, v52;
	v43 =	vld.idx.msk [tilespmem:v56+s16+$0x0], $0xffff  }
0x1ee: {  	v58 =	vor.u32 s1, v6;
	_ =	sdelay $0x3  }
0x1ef: {  	s3 =	spop (v2sf);
	[tilespmem:v57+s19+$0x0] =	vst.idx.msk $0xffff, v43  }
0x1f0: {  	v42 =	vadd.s32 v39, v52;
	s1 =	sand.u32 $0x7F, s3;
	v43 =	vld.idx.msk [tilespmem:v58+s16+$0x0], $0xffff  }
0x1f1: {  	s20 =	sadd.s32 $0x6, s23;
	v59 =	vor.u32 s1, v0  }
0x1f2: {  	v60 =	vmov s20  }
0x1f3: {  	v61 =	vshll.u32 v60, $0x3  }
0x1f4: {  	v45 =	vand.u32 $0x7E, v60;
	v46 =	vand.u32 $0xFFFFFC00, v61  }
0x1f5: {  	v62 =	vor.u32 v45, v46;
	[tilespmem:v42+s19+$0x0] =	vst.idx.msk $0xffff, v43  }
0x1f6: {  	v63 =	vadd.s32 v36, v62;
	v43 =	vld.idx.msk [tilespmem:v59+s17+$0x0], $0xffff  }
0x1f7: {  	v48 =	vor.u32 s1, v2  }
0x1f8: {  	(v2sf) =	vpush v41, $0x7;
	_ =	sdelay $0x2  }
0x1f9: {  	[tilespmem:v63+s19+$0x0] =	vst.idx.msk $0xffff, v43  }
0x1fa: {  	v50 =	vadd.s32 v37, v62;
	v49 =	vld.idx.msk [tilespmem:v48+s17+$0x0], $0xffff  }
0x1fb: {  	v51 =	vor.u32 s1, v4;
	_ =	sdelay $0x3  }
0x1fc: {  	[tilespmem:v50+s19+$0x0] =	vst.idx.msk $0xffff, v49  }
0x1fd: {  	v52 =	vadd.s32 v38, v62;
	v41 =	vld.idx.msk [tilespmem:v51+s17+$0x0], $0xffff  }
0x1fe: {  	v53 =	vor.u32 s1, v6;
	_ =	sdelay $0x3  }
0x1ff: {  	s30 =	spop (v2sf);
	[tilespmem:v52+s19+$0x0] =	vst.idx.msk $0xffff, v41  }
0x200: {  	s1 =	sand.u32 $0x7F, s30;
	v42 =	vadd.s32 v39, v62;
	v41 =	vld.idx.msk [tilespmem:v53+s17+$0x0], $0xffff  }
0x201: {  	s31 =	sadd.s32 $0x7, s23;
	v54 =	vor.u32 s1, v0  }
0x202: {  	v55 =	vmov s31  }
0x203: {  	v56 =	vshll.u32 v55, $0x3  }
0x204: {  	v44 =	vand.u32 $0x7F, v55;
	v45 =	vand.u32 $0xFFFFFC00, v56  }
0x205: {  	v57 =	vor.u32 v44, v45;
	[tilespmem:v42+s19+$0x0] =	vst.idx.msk $0xffff, v41  }
0x206: {  	v58 =	vadd.s32 v36, v57;
	v42 =	vld.idx.msk [tilespmem:v54+s18+$0x0], $0xffff  }
0x207: {  	v59 =	vor.u32 s1, v2;
	_ =	sdelay $0x3  }
0x208: {  	[tilespmem:v58+s19+$0x0] =	vst.idx.msk $0xffff, v42  }
0x209: {  	v60 =	vadd.s32 v37, v57;
	v42 =	vld.idx.msk [tilespmem:v59+s18+$0x0], $0xffff  }
0x20a: {  	v61 =	vor.u32 s1, v4;
	_ =	sdelay $0x3  }
0x20b: {  	[tilespmem:v60+s19+$0x0] =	vst.idx.msk $0xffff, v42  }
0x20c: {  	v62 =	vadd.s32 v38, v57;
	v42 =	vld.idx.msk [tilespmem:v61+s18+$0x0], $0xffff  }
0x20d: {  	v63 =	vor.u32 s1, v6;
	_ =	sdelay $0x3  }
0x20e: {  	[tilespmem:v62+s19+$0x0] =	vst.idx.msk $0xffff, v42  }
0x20f: {  	v41 =	vadd.s32 v39, v57;
	v42 =	vld.idx.msk [tilespmem:v63+s18+$0x0], $0xffff  }
.Ltmp6:
0x210: {  	_ = 	snop;
	(pc) =	sbr.rel .LBB2_6-.Ltmp6, $2  }
0x211: {  	_ =	sdelay $0x2  }
0x212: {  	[tilespmem:v41+s19+$0x0] =	vst.idx.msk $0xffff, v42  }
.LBB2_8:
0x213: {  	_ =	sfence.sel $0x180000  }
0x214: {  	[bflag:$0x0] =	sbarrier.arrive $0xFFFF  }
0x215: {  	_ =	strace $0x90000047  }
0x216: {  	s0 =	stileid.u32;
	[bflag:$0x2] =	sbarrier.arrive $0xFFFF  }
0x217: {  	p0 =	sne.s32 s0, $0x0;
	s0 =	rddreg [dreg:$0x3]  }
0x218: {  	s0 =	sadd.s32 @!p0 $0x100000, s0  }
0x219: {  	[sflag:s0] =	ssyncadd.tile.s32 @!p0 $0x1;
	_ =	shalt  }
.Lfunc_end2:
_tile_overlayer_lowered:
.L_overlay_start_2:
0x21a: {  	(tag) =	ssettag $0x2  }
0x21b: {  	s0 =	rddreg [dreg:$0x0];
	s2 =	stileid.u32  }
0x21c: {  	s1 =	rddreg [dreg:$0x1];
	p0 =	sne.s32 s2, $0x0  }
0x21d: {  	s3 =	rddreg [dreg:$0x2];
	[bflag:$0x3] =	sbarrier.arrive $0xFFFF;
	s2 =	simm.s32 @!p0 $0x1C02  }
0x21e: {  	[timem:s3], [sflag:s2] =	dma.local @!p0 [hbm:s0], s1  }
0x21f: {  	s0 =	simm.s32 @!p0 $0x2  }
0x220: {  	_ =	swait.ge @!p0 [sflag:s0], s1  }
0x221: {  	s1 =	ssub.s32 @!p0 $0x0, s1;
	[sflag:s0] =	ssyncset.done @!p0 $0x0  }
0x222: {  	[sflag:s0] =	ssyncadd.s32 @!p0 s1  }
0x223: {  	[bflag:$0x3] =	sbarrier.arrive $0xFFFF  }
0x224: {  	_ =	shalt  }

</sc_bundles>
